<compile_context>
chip_gen: v7x
topology: tpu7x:2x2x1
jax: 0.10.2.dev20260603
libtpu: 0.0.44.dev20260713+nightly
codegen_flags: <defaults>
</compile_context>

<pallas_src>
import jax
import jax.numpy as jnp
from jax import lax
from jax.experimental import pallas as pl
from jax.experimental.pallas import tpu as pltpu
from jax.experimental.pallas import tpu_sc as plsc

_INFO = plsc.get_sparse_core_info()
_NC = _INFO.num_cores
_NS = _INFO.num_subcores
_NW = _NC * _NS

_N = 1024
_S = 20
_B = _N * _S
_D = 2048
_V = 38
_BPW = _B // _NW
_K = 16


def _body(table_hbm, idx_hbm, out_hbm, table_v, idx_v, *sems):
    wid = lax.axis_index("s") * _NC + lax.axis_index("c")
    base = wid * _BPW
    pltpu.sync_copy(idx_hbm.at[pl.ds(base, _BPW)], idx_v)
    pltpu.sync_copy(table_hbm, table_v)

    def row_start(q, r, v, b):
        pltpu.async_copy(table_v.at[v], out_hbm.at[q, r], sems[b])

    def row_wait(b):
        pltpu.make_async_copy(table_v.at[0], out_hbm.at[0, 0], sems[b]).wait()

    @pl.loop(0, _BPW, step=_K)
    def _(g):
        @pl.when(g > 0)
        def _():
            for b in range(_K):
                row_wait(b)

        vals = idx_v[pl.ds(g, _K)]
        f0 = base + g
        q = f0 // _S
        r = f0 - q * _S
        for b in range(_K):
            row_start(q, r, vals[b], b)
            is_last = r == (_S - 1)
            q = q + jnp.where(is_last, 1, 0)
            r = jnp.where(is_last, 0, r + 1)

    for b in range(_K):
        row_wait(b)


def kernel(signal, table):
    idx = signal.reshape(-1).astype(jnp.int32)
    mesh = plsc.VectorSubcoreMesh(core_axis_name="c", subcore_axis_name="s")
    run = pl.kernel(
        _body,
        mesh=mesh,
        out_type=jax.ShapeDtypeStruct((_N, _S, _D), jnp.float32),
        scratch_types=[
            pltpu.VMEM((_V, _D), jnp.float32),
            pltpu.VMEM((_BPW,), jnp.int32),
        ]
        + [pltpu.SemaphoreType.DMA] * _K,
    )
    return run(table, idx)

# --- scband reference (transcript-rebuilt; emitter-appended) ---
"""Pipeline reference for scband-sig-embedding-21397527068728 (READ-ONLY COPY).

The authoritative reference and input builder live on the scoring server;
editing this copy changes nothing except your own understanding.
"""

import jax, jax.numpy as jnp
import numpy as np


def setup_inputs(seed: int = 0) -> dict:
    key = jax.random.key(seed)
    k1, k2 = jax.random.split(key)
    signal = jax.random.randint(k1, (1024, 20), 0, 38, dtype=jnp.int64 if jax.config.jax_enable_x64 else jnp.int32)
    table = jax.random.normal(k2, (38, 2048), dtype=jnp.float32)
    return {"signal": signal, "table": table}


def reference(signal, table):
    # nn.Embedding lookup: gather rows of the table by index
    signal_embed = jnp.take(table, signal, axis=0)
    return signal_embed

if __name__ == "__main__":
    import jax
    _d = setup_inputs()
    print(jax.jit(kernel)(*tuple(_d.values())))

</pallas_src>

<mosaic_0001>
#map = affine_map<(d0, d1) -> (0, 0)>
#map1 = affine_map<(d0, d1) -> (0)>
#map2 = affine_map<(d0, d1) -> (0, 0, 0)>
module attributes {stable_mosaic.version = 14 : i64} {
  func.func @_body(%arg0: i32, %arg1: i32, %arg2: memref<38x2048xf32, #tpu.memory_space<hbm>>, %arg3: memref<20480xi32, #tpu.memory_space<hbm>>, %arg4: memref<1024x20x2048xf32, #tpu.memory_space<hbm>>, %arg5: memref<38x2048xf32, #tpu.memory_space<vmem>>, %arg6: memref<640xi32, #tpu.memory_space<vmem>>, %arg7: memref<!tpu.dma_semaphore, #tpu.memory_space<semaphore_mem>>, %arg8: memref<!tpu.dma_semaphore, #tpu.memory_space<semaphore_mem>>, %arg9: memref<!tpu.dma_semaphore, #tpu.memory_space<semaphore_mem>>, %arg10: memref<!tpu.dma_semaphore, #tpu.memory_space<semaphore_mem>>, %arg11: memref<!tpu.dma_semaphore, #tpu.memory_space<semaphore_mem>>, %arg12: memref<!tpu.dma_semaphore, #tpu.memory_space<semaphore_mem>>, %arg13: memref<!tpu.dma_semaphore, #tpu.memory_space<semaphore_mem>>, %arg14: memref<!tpu.dma_semaphore, #tpu.memory_space<semaphore_mem>>, %arg15: memref<!tpu.dma_semaphore, #tpu.memory_space<semaphore_mem>>, %arg16: memref<!tpu.dma_semaphore, #tpu.memory_space<semaphore_mem>>, %arg17: memref<!tpu.dma_semaphore, #tpu.memory_space<semaphore_mem>>, %arg18: memref<!tpu.dma_semaphore, #tpu.memory_space<semaphore_mem>>, %arg19: memref<!tpu.dma_semaphore, #tpu.memory_space<semaphore_mem>>, %arg20: memref<!tpu.dma_semaphore, #tpu.memory_space<semaphore_mem>>, %arg21: memref<!tpu.dma_semaphore, #tpu.memory_space<semaphore_mem>>, %arg22: memref<!tpu.dma_semaphore, #tpu.memory_space<semaphore_mem>>) attributes {dimension_semantics = [#tpu.dimension_semantics<core_parallel>, #tpu.dimension_semantics<subcore_parallel>], iteration_bounds = array<i64: 2, 16>, scalar_prefetch = 0 : i64, scratch_operands = 18 : i64, tpu.core_type = #tpu.core_type<sc_vector_subcore>, window_params = [{transform_indices = #map}, {transform_indices = #map1}, {transform_indices = #map2}]} {
    %mul3A = arith.constant 2 : i32
    %mul3A_0 = arith.muli %arg1, %mul3A : i32
    %add3A = arith.addi %mul3A_0, %arg0 : i32
    %mul3A_1 = arith.constant 640 : i32
    %mul3A_2 = arith.muli %add3A, %mul3A_1 : i32
    "tpu.region"() ({
      %run_scoped3A = tpu.sem_alloc : memref<!tpu.dma_semaphore, #tpu.memory_space<semaphore_mem>>
      %dma_start3A = tpu.memref_slice %arg3[%mul3A_2] : memref<20480xi32, #tpu.memory_space<hbm>> -> memref<640xi32, #tpu.memory_space<hbm>>
      %dma_start3A_246 = tpu.memref_slice %arg3[%mul3A_2] : memref<20480xi32, #tpu.memory_space<hbm>> -> memref<640xi32, #tpu.memory_space<hbm>>
      tpu.enqueue_dma source(%dma_start3A_246 : memref<640xi32, #tpu.memory_space<hbm>>) target(%arg6 : memref<640xi32, #tpu.memory_space<vmem>>) target_semaphore(%run_scoped3A : memref<!tpu.dma_semaphore, #tpu.memory_space<semaphore_mem>>)
      %dma_wait3A_247 = tpu.memref_slice %arg3[%mul3A_2] : memref<20480xi32, #tpu.memory_space<hbm>> -> memref<640xi32, #tpu.memory_space<hbm>>
      %dma_wait3A_248 = tpu.memref_slice %arg3[%mul3A_2] : memref<20480xi32, #tpu.memory_space<hbm>> -> memref<640xi32, #tpu.memory_space<hbm>>
      tpu.wait_dma2 semaphore(%run_scoped3A : memref<!tpu.dma_semaphore, #tpu.memory_space<semaphore_mem>>) src(%dma_wait3A_248 : memref<640xi32, #tpu.memory_space<hbm>>) dst(%arg6 : memref<640xi32, #tpu.memory_space<vmem>>)
      tpu.yield
    }) : () -> ()
    "tpu.region"() ({
      %run_scoped3A = tpu.sem_alloc : memref<!tpu.dma_semaphore, #tpu.memory_space<semaphore_mem>>
      tpu.enqueue_dma source(%arg2 : memref<38x2048xf32, #tpu.memory_space<hbm>>) target(%arg5 : memref<38x2048xf32, #tpu.memory_space<vmem>>) target_semaphore(%run_scoped3A : memref<!tpu.dma_semaphore, #tpu.memory_space<semaphore_mem>>)
      tpu.wait_dma2 semaphore(%run_scoped3A : memref<!tpu.dma_semaphore, #tpu.memory_space<semaphore_mem>>) src(%arg2 : memref<38x2048xf32, #tpu.memory_space<hbm>>) dst(%arg5 : memref<38x2048xf32, #tpu.memory_space<vmem>>)
      tpu.yield
    }) : () -> ()
    %scan3A = arith.constant 0 : i32
    %scan3A_3 = arith.constant 40 : i32
    %scan3A_4 = arith.addi %scan3A, %scan3A_3 : i32
    %scan3A_5 = arith.constant 1 : i32
    scf.for %scan3A_246 = %scan3A to %scan3A_4 step %scan3A_5  : i32 {
      %mul3A_247 = arith.constant 16 : i32
      %mul3A_248 = arith.muli %scan3A_246, %mul3A_247 : i32
      %add3A_249 = arith.constant 0 : i32
      %add3A_250 = arith.addi %add3A_249, %mul3A_248 : i32
      %gt3A = arith.constant 0 : i32
      %gt3A_251 = arith.cmpi sgt, %add3A_250, %gt3A : i32
      %convert_element_type3A = arith.extui %gt3A_251 : i1 to i32
      %cond3A = arith.constant 0 : i32
      %cond3A_252 = arith.cmpi ne, %convert_element_type3A, %cond3A : i32
      scf.if %cond3A_252 {
        %dma_wait3A_655 = arith.constant 0 : i32
        %dma_wait3A_656 = arith.constant 0 : i32
        %dma_wait3A_657 = arith.constant 0 : i32
        %dma_wait3A_658 = arith.constant 0 : i32
        %dma_wait3A_659 = tpu.memref_slice %arg5[%dma_wait3A_655, %dma_wait3A_658] : memref<38x2048xf32, #tpu.memory_space<vmem>> -> memref<1x2048xf32, #tpu.memory_space<vmem>>
        %dma_wait3A_660 = tpu.memref_squeeze %dma_wait3A_659 : memref<1x2048xf32, #tpu.memory_space<vmem>> -> memref<2048xf32, #tpu.memory_space<vmem>>
        %dma_wait3A_661 = arith.constant 0 : i32
        %dma_wait3A_662 = tpu.memref_slice %arg4[%dma_wait3A_656, %dma_wait3A_657, %dma_wait3A_661] : memref<1024x20x2048xf32, #tpu.memory_space<hbm>> -> memref<1x1x2048xf32, #tpu.memory_space<hbm>>
        %dma_wait3A_663 = tpu.memref_squeeze %dma_wait3A_662 : memref<1x1x2048xf32, #tpu.memory_space<hbm>> -> memref<2048xf32, #tpu.memory_space<hbm>>
        %dma_wait3A_664 = arith.constant 0 : i32
        %dma_wait3A_665 = tpu.memref_slice %arg4[%dma_wait3A_656, %dma_wait3A_657, %dma_wait3A_664] : memref<1024x20x2048xf32, #tpu.memory_space<hbm>> -> memref<1x1x2048xf32, #tpu.memory_space<hbm>>
        %dma_wait3A_666 = tpu.memref_squeeze %dma_wait3A_665 : memref<1x1x2048xf32, #tpu.memory_space<hbm>> -> memref<2048xf32, #tpu.memory_space<hbm>>
        %dma_wait3A_667 = arith.constant 0 : i32
        %dma_wait3A_668 = tpu.memref_slice %arg5[%dma_wait3A_655, %dma_wait3A_667] : memref<38x2048xf32, #tpu.memory_space<vmem>> -> memref<1x2048xf32, #tpu.memory_space<vmem>>
        %dma_wait3A_669 = tpu.memref_squeeze %dma_wait3A_668 : memref<1x2048xf32, #tpu.memory_space<vmem>> -> memref<2048xf32, #tpu.memory_space<vmem>>
        tpu.wait_dma2 semaphore(%arg7 : memref<!tpu.dma_semaphore, #tpu.memory_space<semaphore_mem>>) src(%dma_wait3A_669 : memref<2048xf32, #tpu.memory_space<vmem>>) dst(%dma_wait3A_666 : memref<2048xf32, #tpu.memory_space<hbm>>)
        %dma_wait3A_670 = arith.constant 0 : i32
        %dma_wait3A_671 = arith.constant 0 : i32
        %dma_wait3A_672 = arith.constant 0 : i32
        %dma_wait3A_673 = arith.constant 0 : i32
        %dma_wait3A_674 = tpu.memref_slice %arg5[%dma_wait3A_670, %dma_wait3A_673] : memref<38x2048xf32, #tpu.memory_space<vmem>> -> memref<1x2048xf32, #tpu.memory_space<vmem>>
        %dma_wait3A_675 = tpu.memref_squeeze %dma_wait3A_674 : memref<1x2048xf32, #tpu.memory_space<vmem>> -> memref<2048xf32, #tpu.memory_space<vmem>>
        %dma_wait3A_676 = arith.constant 0 : i32
        %dma_wait3A_677 = tpu.memref_slice %arg4[%dma_wait3A_671, %dma_wait3A_672, %dma_wait3A_676] : memref<1024x20x2048xf32, #tpu.memory_space<hbm>> -> memref<1x1x2048xf32, #tpu.memory_space<hbm>>
        %dma_wait3A_678 = tpu.memref_squeeze %dma_wait3A_677 : memref<1x1x2048xf32, #tpu.memory_space<hbm>> -> memref<2048xf32, #tpu.memory_space<hbm>>
        %dma_wait3A_679 = arith.constant 0 : i32
        %dma_wait3A_680 = tpu.memref_slice %arg4[%dma_wait3A_671, %dma_wait3A_672, %dma_wait3A_679] : memref<1024x20x2048xf32, #tpu.memory_space<hbm>> -> memref<1x1x2048xf32, #tpu.memory_space<hbm>>
        %dma_wait3A_681 = tpu.memref_squeeze %dma_wait3A_680 : memref<1x1x2048xf32, #tpu.memory_space<hbm>> -> memref<2048xf32, #tpu.memory_space<hbm>>
        %dma_wait3A_682 = arith.constant 0 : i32
        %dma_wait3A_683 = tpu.memref_slice %arg5[%dma_wait3A_670, %dma_wait3A_682] : memref<38x2048xf32, #tpu.memory_space<vmem>> -> memref<1x2048xf32, #tpu.memory_space<vmem>>
        %dma_wait3A_684 = tpu.memref_squeeze %dma_wait3A_683 : memref<1x2048xf32, #tpu.memory_space<vmem>> -> memref<2048xf32, #tpu.memory_space<vmem>>
        tpu.wait_dma2 semaphore(%arg8 : memref<!tpu.dma_semaphore, #tpu.memory_space<semaphore_mem>>) src(%dma_wait3A_684 : memref<2048xf32, #tpu.memory_space<vmem>>) dst(%dma_wait3A_681 : memref<2048xf32, #tpu.memory_space<hbm>>)
        %dma_wait3A_685 = arith.constant 0 : i32
        %dma_wait3A_686 = arith.constant 0 : i32
        %dma_wait3A_687 = arith.constant 0 : i32
        %dma_wait3A_688 = arith.constant 0 : i32
        %dma_wait3A_689 = tpu.memref_slice %arg5[%dma_wait3A_685, %dma_wait3A_688] : memref<38x2048xf32, #tpu.memory_space<vmem>> -> memref<1x2048xf32, #tpu.memory_space<vmem>>
        %dma_wait3A_690 = tpu.memref_squeeze %dma_wait3A_689 : memref<1x2048xf32, #tpu.memory_space<vmem>> -> memref<2048xf32, #tpu.memory_space<vmem>>
        %dma_wait3A_691 = arith.constant 0 : i32
        %dma_wait3A_692 = tpu.memref_slice %arg4[%dma_wait3A_686, %dma_wait3A_687, %dma_wait3A_691] : memref<1024x20x2048xf32, #tpu.memory_space<hbm>> -> memref<1x1x2048xf32, #tpu.memory_space<hbm>>
        %dma_wait3A_693 = tpu.memref_squeeze %dma_wait3A_692 : memref<1x1x2048xf32, #tpu.memory_space<hbm>> -> memref<2048xf32, #tpu.memory_space<hbm>>
        %dma_wait3A_694 = arith.constant 0 : i32
        %dma_wait3A_695 = tpu.memref_slice %arg4[%dma_wait3A_686, %dma_wait3A_687, %dma_wait3A_694] : memref<1024x20x2048xf32, #tpu.memory_space<hbm>> -> memref<1x1x2048xf32, #tpu.memory_space<hbm>>
        %dma_wait3A_696 = tpu.memref_squeeze %dma_wait3A_695 : memref<1x1x2048xf32, #tpu.memory_space<hbm>> -> memref<2048xf32, #tpu.memory_space<hbm>>
        %dma_wait3A_697 = arith.constant 0 : i32
        %dma_wait3A_698 = tpu.memref_slice %arg5[%dma_wait3A_685, %dma_wait3A_697] : memref<38x2048xf32, #tpu.memory_space<vmem>> -> memref<1x2048xf32, #tpu.memory_space<vmem>>
        %dma_wait3A_699 = tpu.memref_squeeze %dma_wait3A_698 : memref<1x2048xf32, #tpu.memory_space<vmem>> -> memref<2048xf32, #tpu.memory_space<vmem>>
        tpu.wait_dma2 semaphore(%arg9 : memref<!tpu.dma_semaphore, #tpu.memory_space<semaphore_mem>>) src(%dma_wait3A_699 : memref<2048xf32, #tpu.memory_space<vmem>>) dst(%dma_wait3A_696 : memref<2048xf32, #tpu.memory_space<hbm>>)
        %dma_wait3A_700 = arith.constant 0 : i32
        %dma_wait3A_701 = arith.constant 0 : i32
        %dma_wait3A_702 = arith.constant 0 : i32
        %dma_wait3A_703 = arith.constant 0 : i32
        %dma_wait3A_704 = tpu.memref_slice %arg5[%dma_wait3A_700, %dma_wait3A_703] : memref<38x2048xf32, #tpu.memory_space<vmem>> -> memref<1x2048xf32, #tpu.memory_space<vmem>>
        %dma_wait3A_705 = tpu.memref_squeeze %dma_wait3A_704 : memref<1x2048xf32, #tpu.memory_space<vmem>> -> memref<2048xf32, #tpu.memory_space<vmem>>
        %dma_wait3A_706 = arith.constant 0 : i32
        %dma_wait3A_707 = tpu.memref_slice %arg4[%dma_wait3A_701, %dma_wait3A_702, %dma_wait3A_706] : memref<1024x20x2048xf32, #tpu.memory_space<hbm>> -> memref<1x1x2048xf32, #tpu.memory_space<hbm>>
        %dma_wait3A_708 = tpu.memref_squeeze %dma_wait3A_707 : memref<1x1x2048xf32, #tpu.memory_space<hbm>> -> memref<2048xf32, #tpu.memory_space<hbm>>
        %dma_wait3A_709 = arith.constant 0 : i32
        %dma_wait3A_710 = tpu.memref_slice %arg4[%dma_wait3A_701, %dma_wait3A_702, %dma_wait3A_709] : memref<1024x20x2048xf32, #tpu.memory_space<hbm>> -> memref<1x1x2048xf32, #tpu.memory_space<hbm>>
        %dma_wait3A_711 = tpu.memref_squeeze %dma_wait3A_710 : memref<1x1x2048xf32, #tpu.memory_space<hbm>> -> memref<2048xf32, #tpu.memory_space<hbm>>
        %dma_wait3A_712 = arith.constant 0 : i32
        %dma_wait3A_713 = tpu.memref_slice %arg5[%dma_wait3A_700, %dma_wait3A_712] : memref<38x2048xf32, #tpu.memory_space<vmem>> -> memref<1x2048xf32, #tpu.memory_space<vmem>>
        %dma_wait3A_714 = tpu.memref_squeeze %dma_wait3A_713 : memref<1x2048xf32, #tpu.memory_space<vmem>> -> memref<2048xf32, #tpu.memory_space<vmem>>
        tpu.wait_dma2 semaphore(%arg10 : memref<!tpu.dma_semaphore, #tpu.memory_space<semaphore_mem>>) src(%dma_wait3A_714 : memref<2048xf32, #tpu.memory_space<vmem>>) dst(%dma_wait3A_711 : memref<2048xf32, #tpu.memory_space<hbm>>)
        %dma_wait3A_715 = arith.constant 0 : i32
        %dma_wait3A_716 = arith.constant 0 : i32
        %dma_wait3A_717 = arith.constant 0 : i32
        %dma_wait3A_718 = arith.constant 0 : i32
        %dma_wait3A_719 = tpu.memref_slice %arg5[%dma_wait3A_715, %dma_wait3A_718] : memref<38x2048xf32, #tpu.memory_space<vmem>> -> memref<1x2048xf32, #tpu.memory_space<vmem>>
        %dma_wait3A_720 = tpu.memref_squeeze %dma_wait3A_719 : memref<1x2048xf32, #tpu.memory_space<vmem>> -> memref<2048xf32, #tpu.memory_space<vmem>>
        %dma_wait3A_721 = arith.constant 0 : i32
        %dma_wait3A_722 = tpu.memref_slice %arg4[%dma_wait3A_716, %dma_wait3A_717, %dma_wait3A_721] : memref<1024x20x2048xf32, #tpu.memory_space<hbm>> -> memref<1x1x2048xf32, #tpu.memory_space<hbm>>
        %dma_wait3A_723 = tpu.memref_squeeze %dma_wait3A_722 : memref<1x1x2048xf32, #tpu.memory_space<hbm>> -> memref<2048xf32, #tpu.memory_space<hbm>>
        %dma_wait3A_724 = arith.constant 0 : i32
        %dma_wait3A_725 = tpu.memref_slice %arg4[%dma_wait3A_716, %dma_wait3A_717, %dma_wait3A_724] : memref<1024x20x2048xf32, #tpu.memory_space<hbm>> -> memref<1x1x2048xf32, #tpu.memory_space<hbm>>
        %dma_wait3A_726 = tpu.memref_squeeze %dma_wait3A_725 : memref<1x1x2048xf32, #tpu.memory_space<hbm>> -> memref<2048xf32, #tpu.memory_space<hbm>>
        %dma_wait3A_727 = arith.constant 0 : i32
        %dma_wait3A_728 = tpu.memref_slice %arg5[%dma_wait3A_715, %dma_wait3A_727] : memref<38x2048xf32, #tpu.memory_space<vmem>> -> memref<1x2048xf32, #tpu.memory_space<vmem>>
        %dma_wait3A_729 = tpu.memref_squeeze %dma_wait3A_728 : memref<1x2048xf32, #tpu.memory_space<vmem>> -> memref<2048xf32, #tpu.memory_space<vmem>>
        tpu.wait_dma2 semaphore(%arg11 : memref<!tpu.dma_semaphore, #tpu.memory_space<semaphore_mem>>) src(%dma_wait3A_729 : memref<2048xf32, #tpu.memory_space<vmem>>) dst(%dma_wait3A_726 : memref<2048xf32, #tpu.memory_space<hbm>>)
        %dma_wait3A_730 = arith.constant 0 : i32
        %dma_wait3A_731 = arith.constant 0 : i32
        %dma_wait3A_732 = arith.constant 0 : i32
        %dma_wait3A_733 = arith.constant 0 : i32
        %dma_wait3A_734 = tpu.memref_slice %arg5[%dma_wait3A_730, %dma_wait3A_733] : memref<38x2048xf32, #tpu.memory_space<vmem>> -> memref<1x2048xf32, #tpu.memory_space<vmem>>
        %dma_wait3A_735 = tpu.memref_squeeze %dma_wait3A_734 : memref<1x2048xf32, #tpu.memory_space<vmem>> -> memref<2048xf32, #tpu.memory_space<vmem>>
        %dma_wait3A_736 = arith.constant 0 : i32
        %dma_wait3A_737 = tpu.memref_slice %arg4[%dma_wait3A_731, %dma_wait3A_732, %dma_wait3A_736] : memref<1024x20x2048xf32, #tpu.memory_space<hbm>> -> memref<1x1x2048xf32, #tpu.memory_space<hbm>>
        %dma_wait3A_738 = tpu.memref_squeeze %dma_wait3A_737 : memref<1x1x2048xf32, #tpu.memory_space<hbm>> -> memref<2048xf32, #tpu.memory_space<hbm>>
        %dma_wait3A_739 = arith.constant 0 : i32
        %dma_wait3A_740 = tpu.memref_slice %arg4[%dma_wait3A_731, %dma_wait3A_732, %dma_wait3A_739] : memref<1024x20x2048xf32, #tpu.memory_space<hbm>> -> memref<1x1x2048xf32, #tpu.memory_space<hbm>>
        %dma_wait3A_741 = tpu.memref_squeeze %dma_wait3A_740 : memref<1x1x2048xf32, #tpu.memory_space<hbm>> -> memref<2048xf32, #tpu.memory_space<hbm>>
        %dma_wait3A_742 = arith.constant 0 : i32
        %dma_wait3A_743 = tpu.memref_slice %arg5[%dma_wait3A_730, %dma_wait3A_742] : memref<38x2048xf32, #tpu.memory_space<vmem>> -> memref<1x2048xf32, #tpu.memory_space<vmem>>
        %dma_wait3A_744 = tpu.memref_squeeze %dma_wait3A_743 : memref<1x2048xf32, #tpu.memory_space<vmem>> -> memref<2048xf32, #tpu.memory_space<vmem>>
        tpu.wait_dma2 semaphore(%arg12 : memref<!tpu.dma_semaphore, #tpu.memory_space<semaphore_mem>>) src(%dma_wait3A_744 : memref<2048xf32, #tpu.memory_space<vmem>>) dst(%dma_wait3A_741 : memref<2048xf32, #tpu.memory_space<hbm>>)
        %dma_wait3A_745 = arith.constant 0 : i32
        %dma_wait3A_746 = arith.constant 0 : i32
        %dma_wait3A_747 = arith.constant 0 : i32
        %dma_wait3A_748 = arith.constant 0 : i32
        %dma_wait3A_749 = tpu.memref_slice %arg5[%dma_wait3A_745, %dma_wait3A_748] : memref<38x2048xf32, #tpu.memory_space<vmem>> -> memref<1x2048xf32, #tpu.memory_space<vmem>>
        %dma_wait3A_750 = tpu.memref_squeeze %dma_wait3A_749 : memref<1x2048xf32, #tpu.memory_space<vmem>> -> memref<2048xf32, #tpu.memory_space<vmem>>
        %dma_wait3A_751 = arith.constant 0 : i32
        %dma_wait3A_752 = tpu.memref_slice %arg4[%dma_wait3A_746, %dma_wait3A_747, %dma_wait3A_751] : memref<1024x20x2048xf32, #tpu.memory_space<hbm>> -> memref<1x1x2048xf32, #tpu.memory_space<hbm>>
        %dma_wait3A_753 = tpu.memref_squeeze %dma_wait3A_752 : memref<1x1x2048xf32, #tpu.memory_space<hbm>> -> memref<2048xf32, #tpu.memory_space<hbm>>
        %dma_wait3A_754 = arith.constant 0 : i32
        %dma_wait3A_755 = tpu.memref_slice %arg4[%dma_wait3A_746, %dma_wait3A_747, %dma_wait3A_754] : memref<1024x20x2048xf32, #tpu.memory_space<hbm>> -> memref<1x1x2048xf32, #tpu.memory_space<hbm>>
        %dma_wait3A_756 = tpu.memref_squeeze %dma_wait3A_755 : memref<1x1x2048xf32, #tpu.memory_space<hbm>> -> memref<2048xf32, #tpu.memory_space<hbm>>
        %dma_wait3A_757 = arith.constant 0 : i32
        %dma_wait3A_758 = tpu.memref_slice %arg5[%dma_wait3A_745, %dma_wait3A_757] : memref<38x2048xf32, #tpu.memory_space<vmem>> -> memref<1x2048xf32, #tpu.memory_space<vmem>>
        %dma_wait3A_759 = tpu.memref_squeeze %dma_wait3A_758 : memref<1x2048xf32, #tpu.memory_space<vmem>> -> memref<2048xf32, #tpu.memory_space<vmem>>
        tpu.wait_dma2 semaphore(%arg13 : memref<!tpu.dma_semaphore, #tpu.memory_space<semaphore_mem>>) src(%dma_wait3A_759 : memref<2048xf32, #tpu.memory_space<vmem>>) dst(%dma_wait3A_756 : memref<2048xf32, #tpu.memory_space<hbm>>)
        %dma_wait3A_760 = arith.constant 0 : i32
        %dma_wait3A_761 = arith.constant 0 : i32
        %dma_wait3A_762 = arith.constant 0 : i32
        %dma_wait3A_763 = arith.constant 0 : i32
        %dma_wait3A_764 = tpu.memref_slice %arg5[%dma_wait3A_760, %dma_wait3A_763] : memref<38x2048xf32, #tpu.memory_space<vmem>> -> memref<1x2048xf32, #tpu.memory_space<vmem>>
        %dma_wait3A_765 = tpu.memref_squeeze %dma_wait3A_764 : memref<1x2048xf32, #tpu.memory_space<vmem>> -> memref<2048xf32, #tpu.memory_space<vmem>>
        %dma_wait3A_766 = arith.constant 0 : i32
        %dma_wait3A_767 = tpu.memref_slice %arg4[%dma_wait3A_761, %dma_wait3A_762, %dma_wait3A_766] : memref<1024x20x2048xf32, #tpu.memory_space<hbm>> -> memref<1x1x2048xf32, #tpu.memory_space<hbm>>
        %dma_wait3A_768 = tpu.memref_squeeze %dma_wait3A_767 : memref<1x1x2048xf32, #tpu.memory_space<hbm>> -> memref<2048xf32, #tpu.memory_space<hbm>>
        %dma_wait3A_769 = arith.constant 0 : i32
        %dma_wait3A_770 = tpu.memref_slice %arg4[%dma_wait3A_761, %dma_wait3A_762, %dma_wait3A_769] : memref<1024x20x2048xf32, #tpu.memory_space<hbm>> -> memref<1x1x2048xf32, #tpu.memory_space<hbm>>
        %dma_wait3A_771 = tpu.memref_squeeze %dma_wait3A_770 : memref<1x1x2048xf32, #tpu.memory_space<hbm>> -> memref<2048xf32, #tpu.memory_space<hbm>>
        %dma_wait3A_772 = arith.constant 0 : i32
        %dma_wait3A_773 = tpu.memref_slice %arg5[%dma_wait3A_760, %dma_wait3A_772] : memref<38x2048xf32, #tpu.memory_space<vmem>> -> memref<1x2048xf32, #tpu.memory_space<vmem>>
        %dma_wait3A_774 = tpu.memref_squeeze %dma_wait3A_773 : memref<1x2048xf32, #tpu.memory_space<vmem>> -> memref<2048xf32, #tpu.memory_space<vmem>>
        tpu.wait_dma2 semaphore(%arg14 : memref<!tpu.dma_semaphore, #tpu.memory_space<semaphore_mem>>) src(%dma_wait3A_774 : memref<2048xf32, #tpu.memory_space<vmem>>) dst(%dma_wait3A_771 : memref<2048xf32, #tpu.memory_space<hbm>>)
        %dma_wait3A_775 = arith.constant 0 : i32
        %dma_wait3A_776 = arith.constant 0 : i32
        %dma_wait3A_777 = arith.constant 0 : i32
        %dma_wait3A_778 = arith.constant 0 : i32
        %dma_wait3A_779 = tpu.memref_slice %arg5[%dma_wait3A_775, %dma_wait3A_778] : memref<38x2048xf32, #tpu.memory_space<vmem>> -> memref<1x2048xf32, #tpu.memory_space<vmem>>
        %dma_wait3A_780 = tpu.memref_squeeze %dma_wait3A_779 : memref<1x2048xf32, #tpu.memory_space<vmem>> -> memref<2048xf32, #tpu.memory_space<vmem>>
        %dma_wait3A_781 = arith.constant 0 : i32
        %dma_wait3A_782 = tpu.memref_slice %arg4[%dma_wait3A_776, %dma_wait3A_777, %dma_wait3A_781] : memref<1024x20x2048xf32, #tpu.memory_space<hbm>> -> memref<1x1x2048xf32, #tpu.memory_space<hbm>>
        %dma_wait3A_783 = tpu.memref_squeeze %dma_wait3A_782 : memref<1x1x2048xf32, #tpu.memory_space<hbm>> -> memref<2048xf32, #tpu.memory_space<hbm>>
        %dma_wait3A_784 = arith.constant 0 : i32
        %dma_wait3A_785 = tpu.memref_slice %arg4[%dma_wait3A_776, %dma_wait3A_777, %dma_wait3A_784] : memref<1024x20x2048xf32, #tpu.memory_space<hbm>> -> memref<1x1x2048xf32, #tpu.memory_space<hbm>>
        %dma_wait3A_786 = tpu.memref_squeeze %dma_wait3A_785 : memref<1x1x2048xf32, #tpu.memory_space<hbm>> -> memref<2048xf32, #tpu.memory_space<hbm>>
        %dma_wait3A_787 = arith.constant 0 : i32
        %dma_wait3A_788 = tpu.memref_slice %arg5[%dma_wait3A_775, %dma_wait3A_787] : memref<38x2048xf32, #tpu.memory_space<vmem>> -> memref<1x2048xf32, #tpu.memory_space<vmem>>
        %dma_wait3A_789 = tpu.memref_squeeze %dma_wait3A_788 : memref<1x2048xf32, #tpu.memory_space<vmem>> -> memref<2048xf32, #tpu.memory_space<vmem>>
        tpu.wait_dma2 semaphore(%arg15 : memref<!tpu.dma_semaphore, #tpu.memory_space<semaphore_mem>>) src(%dma_wait3A_789 : memref<2048xf32, #tpu.memory_space<vmem>>) dst(%dma_wait3A_786 : memref<2048xf32, #tpu.memory_space<hbm>>)
        %dma_wait3A_790 = arith.constant 0 : i32
        %dma_wait3A_791 = arith.constant 0 : i32
        %dma_wait3A_792 = arith.constant 0 : i32
        %dma_wait3A_793 = arith.constant 0 : i32
        %dma_wait3A_794 = tpu.memref_slice %arg5[%dma_wait3A_790, %dma_wait3A_793] : memref<38x2048xf32, #tpu.memory_space<vmem>> -> memref<1x2048xf32, #tpu.memory_space<vmem>>
        %dma_wait3A_795 = tpu.memref_squeeze %dma_wait3A_794 : memref<1x2048xf32, #tpu.memory_space<vmem>> -> memref<2048xf32, #tpu.memory_space<vmem>>
        %dma_wait3A_796 = arith.constant 0 : i32
        %dma_wait3A_797 = tpu.memref_slice %arg4[%dma_wait3A_791, %dma_wait3A_792, %dma_wait3A_796] : memref<1024x20x2048xf32, #tpu.memory_space<hbm>> -> memref<1x1x2048xf32, #tpu.memory_space<hbm>>
        %dma_wait3A_798 = tpu.memref_squeeze %dma_wait3A_797 : memref<1x1x2048xf32, #tpu.memory_space<hbm>> -> memref<2048xf32, #tpu.memory_space<hbm>>
        %dma_wait3A_799 = arith.constant 0 : i32
        %dma_wait3A_800 = tpu.memref_slice %arg4[%dma_wait3A_791, %dma_wait3A_792, %dma_wait3A_799] : memref<1024x20x2048xf32, #tpu.memory_space<hbm>> -> memref<1x1x2048xf32, #tpu.memory_space<hbm>>
        %dma_wait3A_801 = tpu.memref_squeeze %dma_wait3A_800 : memref<1x1x2048xf32, #tpu.memory_space<hbm>> -> memref<2048xf32, #tpu.memory_space<hbm>>
        %dma_wait3A_802 = arith.constant 0 : i32
        %dma_wait3A_803 = tpu.memref_slice %arg5[%dma_wait3A_790, %dma_wait3A_802] : memref<38x2048xf32, #tpu.memory_space<vmem>> -> memref<1x2048xf32, #tpu.memory_space<vmem>>
        %dma_wait3A_804 = tpu.memref_squeeze %dma_wait3A_803 : memref<1x2048xf32, #tpu.memory_space<vmem>> -> memref<2048xf32, #tpu.memory_space<vmem>>
        tpu.wait_dma2 semaphore(%arg16 : memref<!tpu.dma_semaphore, #tpu.memory_space<semaphore_mem>>) src(%dma_wait3A_804 : memref<2048xf32, #tpu.memory_space<vmem>>) dst(%dma_wait3A_801 : memref<2048xf32, #tpu.memory_space<hbm>>)
        %dma_wait3A_805 = arith.constant 0 : i32
        %dma_wait3A_806 = arith.constant 0 : i32
        %dma_wait3A_807 = arith.constant 0 : i32
        %dma_wait3A_808 = arith.constant 0 : i32
        %dma_wait3A_809 = tpu.memref_slice %arg5[%dma_wait3A_805, %dma_wait3A_808] : memref<38x2048xf32, #tpu.memory_space<vmem>> -> memref<1x2048xf32, #tpu.memory_space<vmem>>
        %dma_wait3A_810 = tpu.memref_squeeze %dma_wait3A_809 : memref<1x2048xf32, #tpu.memory_space<vmem>> -> memref<2048xf32, #tpu.memory_space<vmem>>
        %dma_wait3A_811 = arith.constant 0 : i32
        %dma_wait3A_812 = tpu.memref_slice %arg4[%dma_wait3A_806, %dma_wait3A_807, %dma_wait3A_811] : memref<1024x20x2048xf32, #tpu.memory_space<hbm>> -> memref<1x1x2048xf32, #tpu.memory_space<hbm>>
        %dma_wait3A_813 = tpu.memref_squeeze %dma_wait3A_812 : memref<1x1x2048xf32, #tpu.memory_space<hbm>> -> memref<2048xf32, #tpu.memory_space<hbm>>
        %dma_wait3A_814 = arith.constant 0 : i32
        %dma_wait3A_815 = tpu.memref_slice %arg4[%dma_wait3A_806, %dma_wait3A_807, %dma_wait3A_814] : memref<1024x20x2048xf32, #tpu.memory_space<hbm>> -> memref<1x1x2048xf32, #tpu.memory_space<hbm>>
        %dma_wait3A_816 = tpu.memref_squeeze %dma_wait3A_815 : memref<1x1x2048xf32, #tpu.memory_space<hbm>> -> memref<2048xf32, #tpu.memory_space<hbm>>
        %dma_wait3A_817 = arith.constant 0 : i32
        %dma_wait3A_818 = tpu.memref_slice %arg5[%dma_wait3A_805, %dma_wait3A_817] : memref<38x2048xf32, #tpu.memory_space<vmem>> -> memref<1x2048xf32, #tpu.memory_space<vmem>>
        %dma_wait3A_819 = tpu.memref_squeeze %dma_wait3A_818 : memref<1x2048xf32, #tpu.memory_space<vmem>> -> memref<2048xf32, #tpu.memory_space<vmem>>
        tpu.wait_dma2 semaphore(%arg17 : memref<!tpu.dma_semaphore, #tpu.memory_space<semaphore_mem>>) src(%dma_wait3A_819 : memref<2048xf32, #tpu.memory_space<vmem>>) dst(%dma_wait3A_816 : memref<2048xf32, #tpu.memory_space<hbm>>)
        %dma_wait3A_820 = arith.constant 0 : i32
        %dma_wait3A_821 = arith.constant 0 : i32
        %dma_wait3A_822 = arith.constant 0 : i32
        %dma_wait3A_823 = arith.constant 0 : i32
        %dma_wait3A_824 = tpu.memref_slice %arg5[%dma_wait3A_820, %dma_wait3A_823] : memref<38x2048xf32, #tpu.memory_space<vmem>> -> memref<1x2048xf32, #tpu.memory_space<vmem>>
        %dma_wait3A_825 = tpu.memref_squeeze %dma_wait3A_824 : memref<1x2048xf32, #tpu.memory_space<vmem>> -> memref<2048xf32, #tpu.memory_space<vmem>>
        %dma_wait3A_826 = arith.constant 0 : i32
        %dma_wait3A_827 = tpu.memref_slice %arg4[%dma_wait3A_821, %dma_wait3A_822, %dma_wait3A_826] : memref<1024x20x2048xf32, #tpu.memory_space<hbm>> -> memref<1x1x2048xf32, #tpu.memory_space<hbm>>
        %dma_wait3A_828 = tpu.memref_squeeze %dma_wait3A_827 : memref<1x1x2048xf32, #tpu.memory_space<hbm>> -> memref<2048xf32, #tpu.memory_space<hbm>>
        %dma_wait3A_829 = arith.constant 0 : i32
        %dma_wait3A_830 = tpu.memref_slice %arg4[%dma_wait3A_821, %dma_wait3A_822, %dma_wait3A_829] : memref<1024x20x2048xf32, #tpu.memory_space<hbm>> -> memref<1x1x2048xf32, #tpu.memory_space<hbm>>
        %dma_wait3A_831 = tpu.memref_squeeze %dma_wait3A_830 : memref<1x1x2048xf32, #tpu.memory_space<hbm>> -> memref<2048xf32, #tpu.memory_space<hbm>>
        %dma_wait3A_832 = arith.constant 0 : i32
        %dma_wait3A_833 = tpu.memref_slice %arg5[%dma_wait3A_820, %dma_wait3A_832] : memref<38x2048xf32, #tpu.memory_space<vmem>> -> memref<1x2048xf32, #tpu.memory_space<vmem>>
        %dma_wait3A_834 = tpu.memref_squeeze %dma_wait3A_833 : memref<1x2048xf32, #tpu.memory_space<vmem>> -> memref<2048xf32, #tpu.memory_space<vmem>>
        tpu.wait_dma2 semaphore(%arg18 : memref<!tpu.dma_semaphore, #tpu.memory_space<semaphore_mem>>) src(%dma_wait3A_834 : memref<2048xf32, #tpu.memory_space<vmem>>) dst(%dma_wait3A_831 : memref<2048xf32, #tpu.memory_space<hbm>>)
        %dma_wait3A_835 = arith.constant 0 : i32
        %dma_wait3A_836 = arith.constant 0 : i32
        %dma_wait3A_837 = arith.constant 0 : i32
        %dma_wait3A_838 = arith.constant 0 : i32
        %dma_wait3A_839 = tpu.memref_slice %arg5[%dma_wait3A_835, %dma_wait3A_838] : memref<38x2048xf32, #tpu.memory_space<vmem>> -> memref<1x2048xf32, #tpu.memory_space<vmem>>
        %dma_wait3A_840 = tpu.memref_squeeze %dma_wait3A_839 : memref<1x2048xf32, #tpu.memory_space<vmem>> -> memref<2048xf32, #tpu.memory_space<vmem>>
        %dma_wait3A_841 = arith.constant 0 : i32
        %dma_wait3A_842 = tpu.memref_slice %arg4[%dma_wait3A_836, %dma_wait3A_837, %dma_wait3A_841] : memref<1024x20x2048xf32, #tpu.memory_space<hbm>> -> memref<1x1x2048xf32, #tpu.memory_space<hbm>>
        %dma_wait3A_843 = tpu.memref_squeeze %dma_wait3A_842 : memref<1x1x2048xf32, #tpu.memory_space<hbm>> -> memref<2048xf32, #tpu.memory_space<hbm>>
        %dma_wait3A_844 = arith.constant 0 : i32
        %dma_wait3A_845 = tpu.memref_slice %arg4[%dma_wait3A_836, %dma_wait3A_837, %dma_wait3A_844] : memref<1024x20x2048xf32, #tpu.memory_space<hbm>> -> memref<1x1x2048xf32, #tpu.memory_space<hbm>>
        %dma_wait3A_846 = tpu.memref_squeeze %dma_wait3A_845 : memref<1x1x2048xf32, #tpu.memory_space<hbm>> -> memref<2048xf32, #tpu.memory_space<hbm>>
        %dma_wait3A_847 = arith.constant 0 : i32
        %dma_wait3A_848 = tpu.memref_slice %arg5[%dma_wait3A_835, %dma_wait3A_847] : memref<38x2048xf32, #tpu.memory_space<vmem>> -> memref<1x2048xf32, #tpu.memory_space<vmem>>
        %dma_wait3A_849 = tpu.memref_squeeze %dma_wait3A_848 : memref<1x2048xf32, #tpu.memory_space<vmem>> -> memref<2048xf32, #tpu.memory_space<vmem>>
        tpu.wait_dma2 semaphore(%arg19 : memref<!tpu.dma_semaphore, #tpu.memory_space<semaphore_mem>>) src(%dma_wait3A_849 : memref<2048xf32, #tpu.memory_space<vmem>>) dst(%dma_wait3A_846 : memref<2048xf32, #tpu.memory_space<hbm>>)
        %dma_wait3A_850 = arith.constant 0 : i32
        %dma_wait3A_851 = arith.constant 0 : i32
        %dma_wait3A_852 = arith.constant 0 : i32
        %dma_wait3A_853 = arith.constant 0 : i32
        %dma_wait3A_854 = tpu.memref_slice %arg5[%dma_wait3A_850, %dma_wait3A_853] : memref<38x2048xf32, #tpu.memory_space<vmem>> -> memref<1x2048xf32, #tpu.memory_space<vmem>>
        %dma_wait3A_855 = tpu.memref_squeeze %dma_wait3A_854 : memref<1x2048xf32, #tpu.memory_space<vmem>> -> memref<2048xf32, #tpu.memory_space<vmem>>
        %dma_wait3A_856 = arith.constant 0 : i32
        %dma_wait3A_857 = tpu.memref_slice %arg4[%dma_wait3A_851, %dma_wait3A_852, %dma_wait3A_856] : memref<1024x20x2048xf32, #tpu.memory_space<hbm>> -> memref<1x1x2048xf32, #tpu.memory_space<hbm>>
        %dma_wait3A_858 = tpu.memref_squeeze %dma_wait3A_857 : memref<1x1x2048xf32, #tpu.memory_space<hbm>> -> memref<2048xf32, #tpu.memory_space<hbm>>
        %dma_wait3A_859 = arith.constant 0 : i32
        %dma_wait3A_860 = tpu.memref_slice %arg4[%dma_wait3A_851, %dma_wait3A_852, %dma_wait3A_859] : memref<1024x20x2048xf32, #tpu.memory_space<hbm>> -> memref<1x1x2048xf32, #tpu.memory_space<hbm>>
        %dma_wait3A_861 = tpu.memref_squeeze %dma_wait3A_860 : memref<1x1x2048xf32, #tpu.memory_space<hbm>> -> memref<2048xf32, #tpu.memory_space<hbm>>
        %dma_wait3A_862 = arith.constant 0 : i32
        %dma_wait3A_863 = tpu.memref_slice %arg5[%dma_wait3A_850, %dma_wait3A_862] : memref<38x2048xf32, #tpu.memory_space<vmem>> -> memref<1x2048xf32, #tpu.memory_space<vmem>>
        %dma_wait3A_864 = tpu.memref_squeeze %dma_wait3A_863 : memref<1x2048xf32, #tpu.memory_space<vmem>> -> memref<2048xf32, #tpu.memory_space<vmem>>
        tpu.wait_dma2 semaphore(%arg20 : memref<!tpu.dma_semaphore, #tpu.memory_space<semaphore_mem>>) src(%dma_wait3A_864 : memref<2048xf32, #tpu.memory_space<vmem>>) dst(%dma_wait3A_861 : memref<2048xf32, #tpu.memory_space<hbm>>)
        %dma_wait3A_865 = arith.constant 0 : i32
        %dma_wait3A_866 = arith.constant 0 : i32
        %dma_wait3A_867 = arith.constant 0 : i32
        %dma_wait3A_868 = arith.constant 0 : i32
        %dma_wait3A_869 = tpu.memref_slice %arg5[%dma_wait3A_865, %dma_wait3A_868] : memref<38x2048xf32, #tpu.memory_space<vmem>> -> memref<1x2048xf32, #tpu.memory_space<vmem>>
        %dma_wait3A_870 = tpu.memref_squeeze %dma_wait3A_869 : memref<1x2048xf32, #tpu.memory_space<vmem>> -> memref<2048xf32, #tpu.memory_space<vmem>>
        %dma_wait3A_871 = arith.constant 0 : i32
        %dma_wait3A_872 = tpu.memref_slice %arg4[%dma_wait3A_866, %dma_wait3A_867, %dma_wait3A_871] : memref<1024x20x2048xf32, #tpu.memory_space<hbm>> -> memref<1x1x2048xf32, #tpu.memory_space<hbm>>
        %dma_wait3A_873 = tpu.memref_squeeze %dma_wait3A_872 : memref<1x1x2048xf32, #tpu.memory_space<hbm>> -> memref<2048xf32, #tpu.memory_space<hbm>>
        %dma_wait3A_874 = arith.constant 0 : i32
        %dma_wait3A_875 = tpu.memref_slice %arg4[%dma_wait3A_866, %dma_wait3A_867, %dma_wait3A_874] : memref<1024x20x2048xf32, #tpu.memory_space<hbm>> -> memref<1x1x2048xf32, #tpu.memory_space<hbm>>
        %dma_wait3A_876 = tpu.memref_squeeze %dma_wait3A_875 : memref<1x1x2048xf32, #tpu.memory_space<hbm>> -> memref<2048xf32, #tpu.memory_space<hbm>>
        %dma_wait3A_877 = arith.constant 0 : i32
        %dma_wait3A_878 = tpu.memref_slice %arg5[%dma_wait3A_865, %dma_wait3A_877] : memref<38x2048xf32, #tpu.memory_space<vmem>> -> memref<1x2048xf32, #tpu.memory_space<vmem>>
        %dma_wait3A_879 = tpu.memref_squeeze %dma_wait3A_878 : memref<1x2048xf32, #tpu.memory_space<vmem>> -> memref<2048xf32, #tpu.memory_space<vmem>>
        tpu.wait_dma2 semaphore(%arg21 : memref<!tpu.dma_semaphore, #tpu.memory_space<semaphore_mem>>) src(%dma_wait3A_879 : memref<2048xf32, #tpu.memory_space<vmem>>) dst(%dma_wait3A_876 : memref<2048xf32, #tpu.memory_space<hbm>>)
        %dma_wait3A_880 = arith.constant 0 : i32
        %dma_wait3A_881 = arith.constant 0 : i32
        %dma_wait3A_882 = arith.constant 0 : i32
        %dma_wait3A_883 = arith.constant 0 : i32
        %dma_wait3A_884 = tpu.memref_slice %arg5[%dma_wait3A_880, %dma_wait3A_883] : memref<38x2048xf32, #tpu.memory_space<vmem>> -> memref<1x2048xf32, #tpu.memory_space<vmem>>
        %dma_wait3A_885 = tpu.memref_squeeze %dma_wait3A_884 : memref<1x2048xf32, #tpu.memory_space<vmem>> -> memref<2048xf32, #tpu.memory_space<vmem>>
        %dma_wait3A_886 = arith.constant 0 : i32
        %dma_wait3A_887 = tpu.memref_slice %arg4[%dma_wait3A_881, %dma_wait3A_882, %dma_wait3A_886] : memref<1024x20x2048xf32, #tpu.memory_space<hbm>> -> memref<1x1x2048xf32, #tpu.memory_space<hbm>>
        %dma_wait3A_888 = tpu.memref_squeeze %dma_wait3A_887 : memref<1x1x2048xf32, #tpu.memory_space<hbm>> -> memref<2048xf32, #tpu.memory_space<hbm>>
        %dma_wait3A_889 = arith.constant 0 : i32
        %dma_wait3A_890 = tpu.memref_slice %arg4[%dma_wait3A_881, %dma_wait3A_882, %dma_wait3A_889] : memref<1024x20x2048xf32, #tpu.memory_space<hbm>> -> memref<1x1x2048xf32, #tpu.memory_space<hbm>>
        %dma_wait3A_891 = tpu.memref_squeeze %dma_wait3A_890 : memref<1x1x2048xf32, #tpu.memory_space<hbm>> -> memref<2048xf32, #tpu.memory_space<hbm>>
        %dma_wait3A_892 = arith.constant 0 : i32
        %dma_wait3A_893 = tpu.memref_slice %arg5[%dma_wait3A_880, %dma_wait3A_892] : memref<38x2048xf32, #tpu.memory_space<vmem>> -> memref<1x2048xf32, #tpu.memory_space<vmem>>
        %dma_wait3A_894 = tpu.memref_squeeze %dma_wait3A_893 : memref<1x2048xf32, #tpu.memory_space<vmem>> -> memref<2048xf32, #tpu.memory_space<vmem>>
        tpu.wait_dma2 semaphore(%arg22 : memref<!tpu.dma_semaphore, #tpu.memory_space<semaphore_mem>>) src(%dma_wait3A_894 : memref<2048xf32, #tpu.memory_space<vmem>>) dst(%dma_wait3A_891 : memref<2048xf32, #tpu.memory_space<hbm>>)
      } else {
      }
      %get3A = arith.index_cast %add3A_250 : i32 to index
      %get3A_253 = tpu.vector_load %arg6[%get3A] {strides = array<i32>} : memref<640xi32, #tpu.memory_space<vmem>>, vector<16xi32>,
      %get3A_254 = vector.shape_cast %get3A_253 : vector<16xi32> to vector<16xi32>
      %add3A_255 = arith.addi %mul3A_2, %add3A_250 : i32
      %jit3A = arith.constant 20 : i32
      %div3A = arith.divsi %add3A_255, %jit3A : i32
      %sign3A = arith.constant 0 : i32
      %sign3A_256 = arith.cmpi sgt, %add3A_255, %sign3A : i32
      %sign3A_257 = arith.extui %sign3A_256 : i1 to i32
      %sign3A_258 = arith.constant 0 : i32
      %sign3A_259 = arith.cmpi slt, %add3A_255, %sign3A_258 : i32
      %sign3A_260 = arith.extui %sign3A_259 : i1 to i32
      %sign3A_261 = arith.subi %sign3A_257, %sign3A_260 : i32
      %sign3A_262 = arith.constant 0 : i32
      %sign3A_263 = arith.cmpi sgt, %jit3A, %sign3A_262 : i32
      %sign3A_264 = arith.extui %sign3A_263 : i1 to i32
      %sign3A_265 = arith.constant 0 : i32
      %sign3A_266 = arith.cmpi slt, %jit3A, %sign3A_265 : i32
      %sign3A_267 = arith.extui %sign3A_266 : i1 to i32
      %sign3A_268 = arith.subi %sign3A_264, %sign3A_267 : i32
      %ne3A = arith.cmpi ne, %sign3A_261, %sign3A_268 : i32
      %rem3A = arith.remsi %add3A_255, %jit3A : i32
      %ne3A_269 = arith.constant 0 : i32
      %ne3A_270 = arith.cmpi ne, %rem3A, %ne3A_269 : i32
      %and3A = arith.andi %ne3A, %ne3A_270 : i1
      %sub3A = arith.constant 1 : i32
      %sub3A_271 = arith.subi %div3A, %sub3A : i32
      %select_n3A = arith.select %and3A, %sub3A_271, %div3A : i32
      %mul3A_272 = arith.constant 20 : i32
      %mul3A_273 = arith.muli %select_n3A, %mul3A_272 : i32
      %sub3A_274 = arith.subi %add3A_255, %mul3A_273 : i32
      %slice3A = vector.extract_strided_slice %get3A_254 {offsets = [0], sizes = [1], strides = [1]} : vector<16xi32> to vector<1xi32>
      %squeeze3A = vector.extract %slice3A[0] : i32 from vector<1xi32>
      %dma_start3A = arith.constant 0 : i32
      %dma_start3A_275 = tpu.memref_slice %arg5[%squeeze3A, %dma_start3A] : memref<38x2048xf32, #tpu.memory_space<vmem>> -> memref<1x2048xf32, #tpu.memory_space<vmem>>
      %dma_start3A_276 = tpu.memref_squeeze %dma_start3A_275 : memref<1x2048xf32, #tpu.memory_space<vmem>> -> memref<2048xf32, #tpu.memory_space<vmem>>
      %dma_start3A_277 = arith.constant 0 : i32
      %dma_start3A_278 = tpu.memref_slice %arg4[%select_n3A, %sub3A_274, %dma_start3A_277] : memref<1024x20x2048xf32, #tpu.memory_space<hbm>> -> memref<1x1x2048xf32, #tpu.memory_space<hbm>>
      %dma_start3A_279 = tpu.memref_squeeze %dma_start3A_278 : memref<1x1x2048xf32, #tpu.memory_space<hbm>> -> memref<2048xf32, #tpu.memory_space<hbm>>
      %dma_start3A_280 = arith.constant 0 : i32
      %dma_start3A_281 = tpu.memref_slice %arg4[%select_n3A, %sub3A_274, %dma_start3A_280] : memref<1024x20x2048xf32, #tpu.memory_space<hbm>> -> memref<1x1x2048xf32, #tpu.memory_space<hbm>>
      %dma_start3A_282 = tpu.memref_squeeze %dma_start3A_281 : memref<1x1x2048xf32, #tpu.memory_space<hbm>> -> memref<2048xf32, #tpu.memory_space<hbm>>
      %dma_start3A_283 = arith.constant 0 : i32
      %dma_start3A_284 = tpu.memref_slice %arg5[%squeeze3A, %dma_start3A_283] : memref<38x2048xf32, #tpu.memory_space<vmem>> -> memref<1x2048xf32, #tpu.memory_space<vmem>>
      %dma_start3A_285 = tpu.memref_squeeze %dma_start3A_284 : memref<1x2048xf32, #tpu.memory_space<vmem>> -> memref<2048xf32, #tpu.memory_space<vmem>>
      tpu.enqueue_dma source(%dma_start3A_285 : memref<2048xf32, #tpu.memory_space<vmem>>) target(%dma_start3A_282 : memref<2048xf32, #tpu.memory_space<hbm>>) target_semaphore(%arg7 : memref<!tpu.dma_semaphore, #tpu.memory_space<semaphore_mem>>)
      %eq3A = arith.constant 19 : i32
      %eq3A_286 = arith.cmpi eq, %sub3A_274, %eq3A : i32
      %jit3A_287 = arith.constant 1 : i32
      %jit3A_288 = arith.constant 0 : i32
      %select_n3A_289 = arith.select %eq3A_286, %jit3A_287, %jit3A_288 : i32
      %add3A_290 = arith.addi %select_n3A, %select_n3A_289 : i32
      %add3A_291 = arith.constant 1 : i32
      %add3A_292 = arith.addi %sub3A_274, %add3A_291 : i32
      %jit3A_293 = arith.constant 0 : i32
      %select_n3A_294 = arith.select %eq3A_286, %jit3A_293, %add3A_292 : i32
      %slice3A_295 = vector.extract_strided_slice %get3A_254 {offsets = [1], sizes = [1], strides = [1]} : vector<16xi32> to vector<1xi32>
      %squeeze3A_296 = vector.extract %slice3A_295[0] : i32 from vector<1xi32>
      %dma_start3A_297 = arith.constant 0 : i32
      %dma_start3A_298 = tpu.memref_slice %arg5[%squeeze3A_296, %dma_start3A_297] : memref<38x2048xf32, #tpu.memory_space<vmem>> -> memref<1x2048xf32, #tpu.memory_space<vmem>>
      %dma_start3A_299 = tpu.memref_squeeze %dma_start3A_298 : memref<1x2048xf32, #tpu.memory_space<vmem>> -> memref<2048xf32, #tpu.memory_space<vmem>>
      %dma_start3A_300 = arith.constant 0 : i32
      %dma_start3A_301 = tpu.memref_slice %arg4[%add3A_290, %select_n3A_294, %dma_start3A_300] : memref<1024x20x2048xf32, #tpu.memory_space<hbm>> -> memref<1x1x2048xf32, #tpu.memory_space<hbm>>
      %dma_start3A_302 = tpu.memref_squeeze %dma_start3A_301 : memref<1x1x2048xf32, #tpu.memory_space<hbm>> -> memref<2048xf32, #tpu.memory_space<hbm>>
      %dma_start3A_303 = arith.constant 0 : i32
      %dma_start3A_304 = tpu.memref_slice %arg4[%add3A_290, %select_n3A_294, %dma_start3A_303] : memref<1024x20x2048xf32, #tpu.memory_space<hbm>> -> memref<1x1x2048xf32, #tpu.memory_space<hbm>>
      %dma_start3A_305 = tpu.memref_squeeze %dma_start3A_304 : memref<1x1x2048xf32, #tpu.memory_space<hbm>> -> memref<2048xf32, #tpu.memory_space<hbm>>
      %dma_start3A_306 = arith.constant 0 : i32
      %dma_start3A_307 = tpu.memref_slice %arg5[%squeeze3A_296, %dma_start3A_306] : memref<38x2048xf32, #tpu.memory_space<vmem>> -> memref<1x2048xf32, #tpu.memory_space<vmem>>
      %dma_start3A_308 = tpu.memref_squeeze %dma_start3A_307 : memref<1x2048xf32, #tpu.memory_space<vmem>> -> memref<2048xf32, #tpu.memory_space<vmem>>
      tpu.enqueue_dma source(%dma_start3A_308 : memref<2048xf32, #tpu.memory_space<vmem>>) target(%dma_start3A_305 : memref<2048xf32, #tpu.memory_space<hbm>>) target_semaphore(%arg8 : memref<!tpu.dma_semaphore, #tpu.memory_space<semaphore_mem>>)
      %eq3A_309 = arith.constant 19 : i32
      %eq3A_310 = arith.cmpi eq, %select_n3A_294, %eq3A_309 : i32
      %jit3A_311 = arith.constant 1 : i32
      %jit3A_312 = arith.constant 0 : i32
      %select_n3A_313 = arith.select %eq3A_310, %jit3A_311, %jit3A_312 : i32
      %add3A_314 = arith.addi %add3A_290, %select_n3A_313 : i32
      %add3A_315 = arith.constant 1 : i32
      %add3A_316 = arith.addi %select_n3A_294, %add3A_315 : i32
      %jit3A_317 = arith.constant 0 : i32
      %select_n3A_318 = arith.select %eq3A_310, %jit3A_317, %add3A_316 : i32
      %slice3A_319 = vector.extract_strided_slice %get3A_254 {offsets = [2], sizes = [1], strides = [1]} : vector<16xi32> to vector<1xi32>
      %squeeze3A_320 = vector.extract %slice3A_319[0] : i32 from vector<1xi32>
      %dma_start3A_321 = arith.constant 0 : i32
      %dma_start3A_322 = tpu.memref_slice %arg5[%squeeze3A_320, %dma_start3A_321] : memref<38x2048xf32, #tpu.memory_space<vmem>> -> memref<1x2048xf32, #tpu.memory_space<vmem>>
      %dma_start3A_323 = tpu.memref_squeeze %dma_start3A_322 : memref<1x2048xf32, #tpu.memory_space<vmem>> -> memref<2048xf32, #tpu.memory_space<vmem>>
      %dma_start3A_324 = arith.constant 0 : i32
      %dma_start3A_325 = tpu.memref_slice %arg4[%add3A_314, %select_n3A_318, %dma_start3A_324] : memref<1024x20x2048xf32, #tpu.memory_space<hbm>> -> memref<1x1x2048xf32, #tpu.memory_space<hbm>>
      %dma_start3A_326 = tpu.memref_squeeze %dma_start3A_325 : memref<1x1x2048xf32, #tpu.memory_space<hbm>> -> memref<2048xf32, #tpu.memory_space<hbm>>
      %dma_start3A_327 = arith.constant 0 : i32
      %dma_start3A_328 = tpu.memref_slice %arg4[%add3A_314, %select_n3A_318, %dma_start3A_327] : memref<1024x20x2048xf32, #tpu.memory_space<hbm>> -> memref<1x1x2048xf32, #tpu.memory_space<hbm>>
      %dma_start3A_329 = tpu.memref_squeeze %dma_start3A_328 : memref<1x1x2048xf32, #tpu.memory_space<hbm>> -> memref<2048xf32, #tpu.memory_space<hbm>>
      %dma_start3A_330 = arith.constant 0 : i32
      %dma_start3A_331 = tpu.memref_slice %arg5[%squeeze3A_320, %dma_start3A_330] : memref<38x2048xf32, #tpu.memory_space<vmem>> -> memref<1x2048xf32, #tpu.memory_space<vmem>>
      %dma_start3A_332 = tpu.memref_squeeze %dma_start3A_331 : memref<1x2048xf32, #tpu.memory_space<vmem>> -> memref<2048xf32, #tpu.memory_space<vmem>>
      tpu.enqueue_dma source(%dma_start3A_332 : memref<2048xf32, #tpu.memory_space<vmem>>) target(%dma_start3A_329 : memref<2048xf32, #tpu.memory_space<hbm>>) target_semaphore(%arg9 : memref<!tpu.dma_semaphore, #tpu.memory_space<semaphore_mem>>)
      %eq3A_333 = arith.constant 19 : i32
      %eq3A_334 = arith.cmpi eq, %select_n3A_318, %eq3A_333 : i32
      %jit3A_335 = arith.constant 1 : i32
      %jit3A_336 = arith.constant 0 : i32
      %select_n3A_337 = arith.select %eq3A_334, %jit3A_335, %jit3A_336 : i32
      %add3A_338 = arith.addi %add3A_314, %select_n3A_337 : i32
      %add3A_339 = arith.constant 1 : i32
      %add3A_340 = arith.addi %select_n3A_318, %add3A_339 : i32
      %jit3A_341 = arith.constant 0 : i32
      %select_n3A_342 = arith.select %eq3A_334, %jit3A_341, %add3A_340 : i32
      %slice3A_343 = vector.extract_strided_slice %get3A_254 {offsets = [3], sizes = [1], strides = [1]} : vector<16xi32> to vector<1xi32>
      %squeeze3A_344 = vector.extract %slice3A_343[0] : i32 from vector<1xi32>
      %dma_start3A_345 = arith.constant 0 : i32
      %dma_start3A_346 = tpu.memref_slice %arg5[%squeeze3A_344, %dma_start3A_345] : memref<38x2048xf32, #tpu.memory_space<vmem>> -> memref<1x2048xf32, #tpu.memory_space<vmem>>
      %dma_start3A_347 = tpu.memref_squeeze %dma_start3A_346 : memref<1x2048xf32, #tpu.memory_space<vmem>> -> memref<2048xf32, #tpu.memory_space<vmem>>
      %dma_start3A_348 = arith.constant 0 : i32
      %dma_start3A_349 = tpu.memref_slice %arg4[%add3A_338, %select_n3A_342, %dma_start3A_348] : memref<1024x20x2048xf32, #tpu.memory_space<hbm>> -> memref<1x1x2048xf32, #tpu.memory_space<hbm>>
      %dma_start3A_350 = tpu.memref_squeeze %dma_start3A_349 : memref<1x1x2048xf32, #tpu.memory_space<hbm>> -> memref<2048xf32, #tpu.memory_space<hbm>>
      %dma_start3A_351 = arith.constant 0 : i32
      %dma_start3A_352 = tpu.memref_slice %arg4[%add3A_338, %select_n3A_342, %dma_start3A_351] : memref<1024x20x2048xf32, #tpu.memory_space<hbm>> -> memref<1x1x2048xf32, #tpu.memory_space<hbm>>
      %dma_start3A_353 = tpu.memref_squeeze %dma_start3A_352 : memref<1x1x2048xf32, #tpu.memory_space<hbm>> -> memref<2048xf32, #tpu.memory_space<hbm>>
      %dma_start3A_354 = arith.constant 0 : i32
      %dma_start3A_355 = tpu.memref_slice %arg5[%squeeze3A_344, %dma_start3A_354] : memref<38x2048xf32, #tpu.memory_space<vmem>> -> memref<1x2048xf32, #tpu.memory_space<vmem>>
      %dma_start3A_356 = tpu.memref_squeeze %dma_start3A_355 : memref<1x2048xf32, #tpu.memory_space<vmem>> -> memref<2048xf32, #tpu.memory_space<vmem>>
      tpu.enqueue_dma source(%dma_start3A_356 : memref<2048xf32, #tpu.memory_space<vmem>>) target(%dma_start3A_353 : memref<2048xf32, #tpu.memory_space<hbm>>) target_semaphore(%arg10 : memref<!tpu.dma_semaphore, #tpu.memory_space<semaphore_mem>>)
      %eq3A_357 = arith.constant 19 : i32
      %eq3A_358 = arith.cmpi eq, %select_n3A_342, %eq3A_357 : i32
      %jit3A_359 = arith.constant 1 : i32
      %jit3A_360 = arith.constant 0 : i32
      %select_n3A_361 = arith.select %eq3A_358, %jit3A_359, %jit3A_360 : i32
      %add3A_362 = arith.addi %add3A_338, %select_n3A_361 : i32
      %add3A_363 = arith.constant 1 : i32
      %add3A_364 = arith.addi %select_n3A_342, %add3A_363 : i32
      %jit3A_365 = arith.constant 0 : i32
      %select_n3A_366 = arith.select %eq3A_358, %jit3A_365, %add3A_364 : i32
      %slice3A_367 = vector.extract_strided_slice %get3A_254 {offsets = [4], sizes = [1], strides = [1]} : vector<16xi32> to vector<1xi32>
      %squeeze3A_368 = vector.extract %slice3A_367[0] : i32 from vector<1xi32>
      %dma_start3A_369 = arith.constant 0 : i32
      %dma_start3A_370 = tpu.memref_slice %arg5[%squeeze3A_368, %dma_start3A_369] : memref<38x2048xf32, #tpu.memory_space<vmem>> -> memref<1x2048xf32, #tpu.memory_space<vmem>>
      %dma_start3A_371 = tpu.memref_squeeze %dma_start3A_370 : memref<1x2048xf32, #tpu.memory_space<vmem>> -> memref<2048xf32, #tpu.memory_space<vmem>>
      %dma_start3A_372 = arith.constant 0 : i32
      %dma_start3A_373 = tpu.memref_slice %arg4[%add3A_362, %select_n3A_366, %dma_start3A_372] : memref<1024x20x2048xf32, #tpu.memory_space<hbm>> -> memref<1x1x2048xf32, #tpu.memory_space<hbm>>
      %dma_start3A_374 = tpu.memref_squeeze %dma_start3A_373 : memref<1x1x2048xf32, #tpu.memory_space<hbm>> -> memref<2048xf32, #tpu.memory_space<hbm>>
      %dma_start3A_375 = arith.constant 0 : i32
      %dma_start3A_376 = tpu.memref_slice %arg4[%add3A_362, %select_n3A_366, %dma_start3A_375] : memref<1024x20x2048xf32, #tpu.memory_space<hbm>> -> memref<1x1x2048xf32, #tpu.memory_space<hbm>>
      %dma_start3A_377 = tpu.memref_squeeze %dma_start3A_376 : memref<1x1x2048xf32, #tpu.memory_space<hbm>> -> memref<2048xf32, #tpu.memory_space<hbm>>
      %dma_start3A_378 = arith.constant 0 : i32
      %dma_start3A_379 = tpu.memref_slice %arg5[%squeeze3A_368, %dma_start3A_378] : memref<38x2048xf32, #tpu.memory_space<vmem>> -> memref<1x2048xf32, #tpu.memory_space<vmem>>
      %dma_start3A_380 = tpu.memref_squeeze %dma_start3A_379 : memref<1x2048xf32, #tpu.memory_space<vmem>> -> memref<2048xf32, #tpu.memory_space<vmem>>
      tpu.enqueue_dma source(%dma_start3A_380 : memref<2048xf32, #tpu.memory_space<vmem>>) target(%dma_start3A_377 : memref<2048xf32, #tpu.memory_space<hbm>>) target_semaphore(%arg11 : memref<!tpu.dma_semaphore, #tpu.memory_space<semaphore_mem>>)
      %eq3A_381 = arith.constant 19 : i32
      %eq3A_382 = arith.cmpi eq, %select_n3A_366, %eq3A_381 : i32
      %jit3A_383 = arith.constant 1 : i32
      %jit3A_384 = arith.constant 0 : i32
      %select_n3A_385 = arith.select %eq3A_382, %jit3A_383, %jit3A_384 : i32
      %add3A_386 = arith.addi %add3A_362, %select_n3A_385 : i32
      %add3A_387 = arith.constant 1 : i32
      %add3A_388 = arith.addi %select_n3A_366, %add3A_387 : i32
      %jit3A_389 = arith.constant 0 : i32
      %select_n3A_390 = arith.select %eq3A_382, %jit3A_389, %add3A_388 : i32
      %slice3A_391 = vector.extract_strided_slice %get3A_254 {offsets = [5], sizes = [1], strides = [1]} : vector<16xi32> to vector<1xi32>
      %squeeze3A_392 = vector.extract %slice3A_391[0] : i32 from vector<1xi32>
      %dma_start3A_393 = arith.constant 0 : i32
      %dma_start3A_394 = tpu.memref_slice %arg5[%squeeze3A_392, %dma_start3A_393] : memref<38x2048xf32, #tpu.memory_space<vmem>> -> memref<1x2048xf32, #tpu.memory_space<vmem>>
      %dma_start3A_395 = tpu.memref_squeeze %dma_start3A_394 : memref<1x2048xf32, #tpu.memory_space<vmem>> -> memref<2048xf32, #tpu.memory_space<vmem>>
      %dma_start3A_396 = arith.constant 0 : i32
      %dma_start3A_397 = tpu.memref_slice %arg4[%add3A_386, %select_n3A_390, %dma_start3A_396] : memref<1024x20x2048xf32, #tpu.memory_space<hbm>> -> memref<1x1x2048xf32, #tpu.memory_space<hbm>>
      %dma_start3A_398 = tpu.memref_squeeze %dma_start3A_397 : memref<1x1x2048xf32, #tpu.memory_space<hbm>> -> memref<2048xf32, #tpu.memory_space<hbm>>
      %dma_start3A_399 = arith.constant 0 : i32
      %dma_start3A_400 = tpu.memref_slice %arg4[%add3A_386, %select_n3A_390, %dma_start3A_399] : memref<1024x20x2048xf32, #tpu.memory_space<hbm>> -> memref<1x1x2048xf32, #tpu.memory_space<hbm>>
      %dma_start3A_401 = tpu.memref_squeeze %dma_start3A_400 : memref<1x1x2048xf32, #tpu.memory_space<hbm>> -> memref<2048xf32, #tpu.memory_space<hbm>>
      %dma_start3A_402 = arith.constant 0 : i32
      %dma_start3A_403 = tpu.memref_slice %arg5[%squeeze3A_392, %dma_start3A_402] : memref<38x2048xf32, #tpu.memory_space<vmem>> -> memref<1x2048xf32, #tpu.memory_space<vmem>>
      %dma_start3A_404 = tpu.memref_squeeze %dma_start3A_403 : memref<1x2048xf32, #tpu.memory_space<vmem>> -> memref<2048xf32, #tpu.memory_space<vmem>>
      tpu.enqueue_dma source(%dma_start3A_404 : memref<2048xf32, #tpu.memory_space<vmem>>) target(%dma_start3A_401 : memref<2048xf32, #tpu.memory_space<hbm>>) target_semaphore(%arg12 : memref<!tpu.dma_semaphore, #tpu.memory_space<semaphore_mem>>)
      %eq3A_405 = arith.constant 19 : i32
      %eq3A_406 = arith.cmpi eq, %select_n3A_390, %eq3A_405 : i32
      %jit3A_407 = arith.constant 1 : i32
      %jit3A_408 = arith.constant 0 : i32
      %select_n3A_409 = arith.select %eq3A_406, %jit3A_407, %jit3A_408 : i32
      %add3A_410 = arith.addi %add3A_386, %select_n3A_409 : i32
      %add3A_411 = arith.constant 1 : i32
      %add3A_412 = arith.addi %select_n3A_390, %add3A_411 : i32
      %jit3A_413 = arith.constant 0 : i32
      %select_n3A_414 = arith.select %eq3A_406, %jit3A_413, %add3A_412 : i32
      %slice3A_415 = vector.extract_strided_slice %get3A_254 {offsets = [6], sizes = [1], strides = [1]} : vector<16xi32> to vector<1xi32>
      %squeeze3A_416 = vector.extract %slice3A_415[0] : i32 from vector<1xi32>
      %dma_start3A_417 = arith.constant 0 : i32
      %dma_start3A_418 = tpu.memref_slice %arg5[%squeeze3A_416, %dma_start3A_417] : memref<38x2048xf32, #tpu.memory_space<vmem>> -> memref<1x2048xf32, #tpu.memory_space<vmem>>
      %dma_start3A_419 = tpu.memref_squeeze %dma_start3A_418 : memref<1x2048xf32, #tpu.memory_space<vmem>> -> memref<2048xf32, #tpu.memory_space<vmem>>
      %dma_start3A_420 = arith.constant 0 : i32
      %dma_start3A_421 = tpu.memref_slice %arg4[%add3A_410, %select_n3A_414, %dma_start3A_420] : memref<1024x20x2048xf32, #tpu.memory_space<hbm>> -> memref<1x1x2048xf32, #tpu.memory_space<hbm>>
      %dma_start3A_422 = tpu.memref_squeeze %dma_start3A_421 : memref<1x1x2048xf32, #tpu.memory_space<hbm>> -> memref<2048xf32, #tpu.memory_space<hbm>>
      %dma_start3A_423 = arith.constant 0 : i32
      %dma_start3A_424 = tpu.memref_slice %arg4[%add3A_410, %select_n3A_414, %dma_start3A_423] : memref<1024x20x2048xf32, #tpu.memory_space<hbm>> -> memref<1x1x2048xf32, #tpu.memory_space<hbm>>
      %dma_start3A_425 = tpu.memref_squeeze %dma_start3A_424 : memref<1x1x2048xf32, #tpu.memory_space<hbm>> -> memref<2048xf32, #tpu.memory_space<hbm>>
      %dma_start3A_426 = arith.constant 0 : i32
      %dma_start3A_427 = tpu.memref_slice %arg5[%squeeze3A_416, %dma_start3A_426] : memref<38x2048xf32, #tpu.memory_space<vmem>> -> memref<1x2048xf32, #tpu.memory_space<vmem>>
      %dma_start3A_428 = tpu.memref_squeeze %dma_start3A_427 : memref<1x2048xf32, #tpu.memory_space<vmem>> -> memref<2048xf32, #tpu.memory_space<vmem>>
      tpu.enqueue_dma source(%dma_start3A_428 : memref<2048xf32, #tpu.memory_space<vmem>>) target(%dma_start3A_425 : memref<2048xf32, #tpu.memory_space<hbm>>) target_semaphore(%arg13 : memref<!tpu.dma_semaphore, #tpu.memory_space<semaphore_mem>>)
      %eq3A_429 = arith.constant 19 : i32
      %eq3A_430 = arith.cmpi eq, %select_n3A_414, %eq3A_429 : i32
      %jit3A_431 = arith.constant 1 : i32
      %jit3A_432 = arith.constant 0 : i32
      %select_n3A_433 = arith.select %eq3A_430, %jit3A_431, %jit3A_432 : i32
      %add3A_434 = arith.addi %add3A_410, %select_n3A_433 : i32
      %add3A_435 = arith.constant 1 : i32
      %add3A_436 = arith.addi %select_n3A_414, %add3A_435 : i32
      %jit3A_437 = arith.constant 0 : i32
      %select_n3A_438 = arith.select %eq3A_430, %jit3A_437, %add3A_436 : i32
      %slice3A_439 = vector.extract_strided_slice %get3A_254 {offsets = [7], sizes = [1], strides = [1]} : vector<16xi32> to vector<1xi32>
      %squeeze3A_440 = vector.extract %slice3A_439[0] : i32 from vector<1xi32>
      %dma_start3A_441 = arith.constant 0 : i32
      %dma_start3A_442 = tpu.memref_slice %arg5[%squeeze3A_440, %dma_start3A_441] : memref<38x2048xf32, #tpu.memory_space<vmem>> -> memref<1x2048xf32, #tpu.memory_space<vmem>>
      %dma_start3A_443 = tpu.memref_squeeze %dma_start3A_442 : memref<1x2048xf32, #tpu.memory_space<vmem>> -> memref<2048xf32, #tpu.memory_space<vmem>>
      %dma_start3A_444 = arith.constant 0 : i32
      %dma_start3A_445 = tpu.memref_slice %arg4[%add3A_434, %select_n3A_438, %dma_start3A_444] : memref<1024x20x2048xf32, #tpu.memory_space<hbm>> -> memref<1x1x2048xf32, #tpu.memory_space<hbm>>
      %dma_start3A_446 = tpu.memref_squeeze %dma_start3A_445 : memref<1x1x2048xf32, #tpu.memory_space<hbm>> -> memref<2048xf32, #tpu.memory_space<hbm>>
      %dma_start3A_447 = arith.constant 0 : i32
      %dma_start3A_448 = tpu.memref_slice %arg4[%add3A_434, %select_n3A_438, %dma_start3A_447] : memref<1024x20x2048xf32, #tpu.memory_space<hbm>> -> memref<1x1x2048xf32, #tpu.memory_space<hbm>>
      %dma_start3A_449 = tpu.memref_squeeze %dma_start3A_448 : memref<1x1x2048xf32, #tpu.memory_space<hbm>> -> memref<2048xf32, #tpu.memory_space<hbm>>
      %dma_start3A_450 = arith.constant 0 : i32
      %dma_start3A_451 = tpu.memref_slice %arg5[%squeeze3A_440, %dma_start3A_450] : memref<38x2048xf32, #tpu.memory_space<vmem>> -> memref<1x2048xf32, #tpu.memory_space<vmem>>
      %dma_start3A_452 = tpu.memref_squeeze %dma_start3A_451 : memref<1x2048xf32, #tpu.memory_space<vmem>> -> memref<2048xf32, #tpu.memory_space<vmem>>
      tpu.enqueue_dma source(%dma_start3A_452 : memref<2048xf32, #tpu.memory_space<vmem>>) target(%dma_start3A_449 : memref<2048xf32, #tpu.memory_space<hbm>>) target_semaphore(%arg14 : memref<!tpu.dma_semaphore, #tpu.memory_space<semaphore_mem>>)
      %eq3A_453 = arith.constant 19 : i32
      %eq3A_454 = arith.cmpi eq, %select_n3A_438, %eq3A_453 : i32
      %jit3A_455 = arith.constant 1 : i32
      %jit3A_456 = arith.constant 0 : i32
      %select_n3A_457 = arith.select %eq3A_454, %jit3A_455, %jit3A_456 : i32
      %add3A_458 = arith.addi %add3A_434, %select_n3A_457 : i32
      %add3A_459 = arith.constant 1 : i32
      %add3A_460 = arith.addi %select_n3A_438, %add3A_459 : i32
      %jit3A_461 = arith.constant 0 : i32
      %select_n3A_462 = arith.select %eq3A_454, %jit3A_461, %add3A_460 : i32
      %slice3A_463 = vector.extract_strided_slice %get3A_254 {offsets = [8], sizes = [1], strides = [1]} : vector<16xi32> to vector<1xi32>
      %squeeze3A_464 = vector.extract %slice3A_463[0] : i32 from vector<1xi32>
      %dma_start3A_465 = arith.constant 0 : i32
      %dma_start3A_466 = tpu.memref_slice %arg5[%squeeze3A_464, %dma_start3A_465] : memref<38x2048xf32, #tpu.memory_space<vmem>> -> memref<1x2048xf32, #tpu.memory_space<vmem>>
      %dma_start3A_467 = tpu.memref_squeeze %dma_start3A_466 : memref<1x2048xf32, #tpu.memory_space<vmem>> -> memref<2048xf32, #tpu.memory_space<vmem>>
      %dma_start3A_468 = arith.constant 0 : i32
      %dma_start3A_469 = tpu.memref_slice %arg4[%add3A_458, %select_n3A_462, %dma_start3A_468] : memref<1024x20x2048xf32, #tpu.memory_space<hbm>> -> memref<1x1x2048xf32, #tpu.memory_space<hbm>>
      %dma_start3A_470 = tpu.memref_squeeze %dma_start3A_469 : memref<1x1x2048xf32, #tpu.memory_space<hbm>> -> memref<2048xf32, #tpu.memory_space<hbm>>
      %dma_start3A_471 = arith.constant 0 : i32
      %dma_start3A_472 = tpu.memref_slice %arg4[%add3A_458, %select_n3A_462, %dma_start3A_471] : memref<1024x20x2048xf32, #tpu.memory_space<hbm>> -> memref<1x1x2048xf32, #tpu.memory_space<hbm>>
      %dma_start3A_473 = tpu.memref_squeeze %dma_start3A_472 : memref<1x1x2048xf32, #tpu.memory_space<hbm>> -> memref<2048xf32, #tpu.memory_space<hbm>>
      %dma_start3A_474 = arith.constant 0 : i32
      %dma_start3A_475 = tpu.memref_slice %arg5[%squeeze3A_464, %dma_start3A_474] : memref<38x2048xf32, #tpu.memory_space<vmem>> -> memref<1x2048xf32, #tpu.memory_space<vmem>>
      %dma_start3A_476 = tpu.memref_squeeze %dma_start3A_475 : memref<1x2048xf32, #tpu.memory_space<vmem>> -> memref<2048xf32, #tpu.memory_space<vmem>>
      tpu.enqueue_dma source(%dma_start3A_476 : memref<2048xf32, #tpu.memory_space<vmem>>) target(%dma_start3A_473 : memref<2048xf32, #tpu.memory_space<hbm>>) target_semaphore(%arg15 : memref<!tpu.dma_semaphore, #tpu.memory_space<semaphore_mem>>)
      %eq3A_477 = arith.constant 19 : i32
      %eq3A_478 = arith.cmpi eq, %select_n3A_462, %eq3A_477 : i32
      %jit3A_479 = arith.constant 1 : i32
      %jit3A_480 = arith.constant 0 : i32
      %select_n3A_481 = arith.select %eq3A_478, %jit3A_479, %jit3A_480 : i32
      %add3A_482 = arith.addi %add3A_458, %select_n3A_481 : i32
      %add3A_483 = arith.constant 1 : i32
      %add3A_484 = arith.addi %select_n3A_462, %add3A_483 : i32
      %jit3A_485 = arith.constant 0 : i32
      %select_n3A_486 = arith.select %eq3A_478, %jit3A_485, %add3A_484 : i32
      %slice3A_487 = vector.extract_strided_slice %get3A_254 {offsets = [9], sizes = [1], strides = [1]} : vector<16xi32> to vector<1xi32>
      %squeeze3A_488 = vector.extract %slice3A_487[0] : i32 from vector<1xi32>
      %dma_start3A_489 = arith.constant 0 : i32
      %dma_start3A_490 = tpu.memref_slice %arg5[%squeeze3A_488, %dma_start3A_489] : memref<38x2048xf32, #tpu.memory_space<vmem>> -> memref<1x2048xf32, #tpu.memory_space<vmem>>
      %dma_start3A_491 = tpu.memref_squeeze %dma_start3A_490 : memref<1x2048xf32, #tpu.memory_space<vmem>> -> memref<2048xf32, #tpu.memory_space<vmem>>
      %dma_start3A_492 = arith.constant 0 : i32
      %dma_start3A_493 = tpu.memref_slice %arg4[%add3A_482, %select_n3A_486, %dma_start3A_492] : memref<1024x20x2048xf32, #tpu.memory_space<hbm>> -> memref<1x1x2048xf32, #tpu.memory_space<hbm>>
      %dma_start3A_494 = tpu.memref_squeeze %dma_start3A_493 : memref<1x1x2048xf32, #tpu.memory_space<hbm>> -> memref<2048xf32, #tpu.memory_space<hbm>>
      %dma_start3A_495 = arith.constant 0 : i32
      %dma_start3A_496 = tpu.memref_slice %arg4[%add3A_482, %select_n3A_486, %dma_start3A_495] : memref<1024x20x2048xf32, #tpu.memory_space<hbm>> -> memref<1x1x2048xf32, #tpu.memory_space<hbm>>
      %dma_start3A_497 = tpu.memref_squeeze %dma_start3A_496 : memref<1x1x2048xf32, #tpu.memory_space<hbm>> -> memref<2048xf32, #tpu.memory_space<hbm>>
      %dma_start3A_498 = arith.constant 0 : i32
      %dma_start3A_499 = tpu.memref_slice %arg5[%squeeze3A_488, %dma_start3A_498] : memref<38x2048xf32, #tpu.memory_space<vmem>> -> memref<1x2048xf32, #tpu.memory_space<vmem>>
      %dma_start3A_500 = tpu.memref_squeeze %dma_start3A_499 : memref<1x2048xf32, #tpu.memory_space<vmem>> -> memref<2048xf32, #tpu.memory_space<vmem>>
      tpu.enqueue_dma source(%dma_start3A_500 : memref<2048xf32, #tpu.memory_space<vmem>>) target(%dma_start3A_497 : memref<2048xf32, #tpu.memory_space<hbm>>) target_semaphore(%arg16 : memref<!tpu.dma_semaphore, #tpu.memory_space<semaphore_mem>>)
      %eq3A_501 = arith.constant 19 : i32
      %eq3A_502 = arith.cmpi eq, %select_n3A_486, %eq3A_501 : i32
      %jit3A_503 = arith.constant 1 : i32
      %jit3A_504 = arith.constant 0 : i32
      %select_n3A_505 = arith.select %eq3A_502, %jit3A_503, %jit3A_504 : i32
      %add3A_506 = arith.addi %add3A_482, %select_n3A_505 : i32
      %add3A_507 = arith.constant 1 : i32
      %add3A_508 = arith.addi %select_n3A_486, %add3A_507 : i32
      %jit3A_509 = arith.constant 0 : i32
      %select_n3A_510 = arith.select %eq3A_502, %jit3A_509, %add3A_508 : i32
      %slice3A_511 = vector.extract_strided_slice %get3A_254 {offsets = [10], sizes = [1], strides = [1]} : vector<16xi32> to vector<1xi32>
      %squeeze3A_512 = vector.extract %slice3A_511[0] : i32 from vector<1xi32>
      %dma_start3A_513 = arith.constant 0 : i32
      %dma_start3A_514 = tpu.memref_slice %arg5[%squeeze3A_512, %dma_start3A_513] : memref<38x2048xf32, #tpu.memory_space<vmem>> -> memref<1x2048xf32, #tpu.memory_space<vmem>>
      %dma_start3A_515 = tpu.memref_squeeze %dma_start3A_514 : memref<1x2048xf32, #tpu.memory_space<vmem>> -> memref<2048xf32, #tpu.memory_space<vmem>>
      %dma_start3A_516 = arith.constant 0 : i32
      %dma_start3A_517 = tpu.memref_slice %arg4[%add3A_506, %select_n3A_510, %dma_start3A_516] : memref<1024x20x2048xf32, #tpu.memory_space<hbm>> -> memref<1x1x2048xf32, #tpu.memory_space<hbm>>
      %dma_start3A_518 = tpu.memref_squeeze %dma_start3A_517 : memref<1x1x2048xf32, #tpu.memory_space<hbm>> -> memref<2048xf32, #tpu.memory_space<hbm>>
      %dma_start3A_519 = arith.constant 0 : i32
      %dma_start3A_520 = tpu.memref_slice %arg4[%add3A_506, %select_n3A_510, %dma_start3A_519] : memref<1024x20x2048xf32, #tpu.memory_space<hbm>> -> memref<1x1x2048xf32, #tpu.memory_space<hbm>>
      %dma_start3A_521 = tpu.memref_squeeze %dma_start3A_520 : memref<1x1x2048xf32, #tpu.memory_space<hbm>> -> memref<2048xf32, #tpu.memory_space<hbm>>
      %dma_start3A_522 = arith.constant 0 : i32
      %dma_start3A_523 = tpu.memref_slice %arg5[%squeeze3A_512, %dma_start3A_522] : memref<38x2048xf32, #tpu.memory_space<vmem>> -> memref<1x2048xf32, #tpu.memory_space<vmem>>
      %dma_start3A_524 = tpu.memref_squeeze %dma_start3A_523 : memref<1x2048xf32, #tpu.memory_space<vmem>> -> memref<2048xf32, #tpu.memory_space<vmem>>
      tpu.enqueue_dma source(%dma_start3A_524 : memref<2048xf32, #tpu.memory_space<vmem>>) target(%dma_start3A_521 : memref<2048xf32, #tpu.memory_space<hbm>>) target_semaphore(%arg17 : memref<!tpu.dma_semaphore, #tpu.memory_space<semaphore_mem>>)
      %eq3A_525 = arith.constant 19 : i32
      %eq3A_526 = arith.cmpi eq, %select_n3A_510, %eq3A_525 : i32
      %jit3A_527 = arith.constant 1 : i32
      %jit3A_528 = arith.constant 0 : i32
      %select_n3A_529 = arith.select %eq3A_526, %jit3A_527, %jit3A_528 : i32
      %add3A_530 = arith.addi %add3A_506, %select_n3A_529 : i32
      %add3A_531 = arith.constant 1 : i32
      %add3A_532 = arith.addi %select_n3A_510, %add3A_531 : i32
      %jit3A_533 = arith.constant 0 : i32
      %select_n3A_534 = arith.select %eq3A_526, %jit3A_533, %add3A_532 : i32
      %slice3A_535 = vector.extract_strided_slice %get3A_254 {offsets = [11], sizes = [1], strides = [1]} : vector<16xi32> to vector<1xi32>
      %squeeze3A_536 = vector.extract %slice3A_535[0] : i32 from vector<1xi32>
      %dma_start3A_537 = arith.constant 0 : i32
      %dma_start3A_538 = tpu.memref_slice %arg5[%squeeze3A_536, %dma_start3A_537] : memref<38x2048xf32, #tpu.memory_space<vmem>> -> memref<1x2048xf32, #tpu.memory_space<vmem>>
      %dma_start3A_539 = tpu.memref_squeeze %dma_start3A_538 : memref<1x2048xf32, #tpu.memory_space<vmem>> -> memref<2048xf32, #tpu.memory_space<vmem>>
      %dma_start3A_540 = arith.constant 0 : i32
      %dma_start3A_541 = tpu.memref_slice %arg4[%add3A_530, %select_n3A_534, %dma_start3A_540] : memref<1024x20x2048xf32, #tpu.memory_space<hbm>> -> memref<1x1x2048xf32, #tpu.memory_space<hbm>>
      %dma_start3A_542 = tpu.memref_squeeze %dma_start3A_541 : memref<1x1x2048xf32, #tpu.memory_space<hbm>> -> memref<2048xf32, #tpu.memory_space<hbm>>
      %dma_start3A_543 = arith.constant 0 : i32
      %dma_start3A_544 = tpu.memref_slice %arg4[%add3A_530, %select_n3A_534, %dma_start3A_543] : memref<1024x20x2048xf32, #tpu.memory_space<hbm>> -> memref<1x1x2048xf32, #tpu.memory_space<hbm>>
      %dma_start3A_545 = tpu.memref_squeeze %dma_start3A_544 : memref<1x1x2048xf32, #tpu.memory_space<hbm>> -> memref<2048xf32, #tpu.memory_space<hbm>>
      %dma_start3A_546 = arith.constant 0 : i32
      %dma_start3A_547 = tpu.memref_slice %arg5[%squeeze3A_536, %dma_start3A_546] : memref<38x2048xf32, #tpu.memory_space<vmem>> -> memref<1x2048xf32, #tpu.memory_space<vmem>>
      %dma_start3A_548 = tpu.memref_squeeze %dma_start3A_547 : memref<1x2048xf32, #tpu.memory_space<vmem>> -> memref<2048xf32, #tpu.memory_space<vmem>>
      tpu.enqueue_dma source(%dma_start3A_548 : memref<2048xf32, #tpu.memory_space<vmem>>) target(%dma_start3A_545 : memref<2048xf32, #tpu.memory_space<hbm>>) target_semaphore(%arg18 : memref<!tpu.dma_semaphore, #tpu.memory_space<semaphore_mem>>)
      %eq3A_549 = arith.constant 19 : i32
      %eq3A_550 = arith.cmpi eq, %select_n3A_534, %eq3A_549 : i32
      %jit3A_551 = arith.constant 1 : i32
      %jit3A_552 = arith.constant 0 : i32
      %select_n3A_553 = arith.select %eq3A_550, %jit3A_551, %jit3A_552 : i32
      %add3A_554 = arith.addi %add3A_530, %select_n3A_553 : i32
      %add3A_555 = arith.constant 1 : i32
      %add3A_556 = arith.addi %select_n3A_534, %add3A_555 : i32
      %jit3A_557 = arith.constant 0 : i32
      %select_n3A_558 = arith.select %eq3A_550, %jit3A_557, %add3A_556 : i32
      %slice3A_559 = vector.extract_strided_slice %get3A_254 {offsets = [12], sizes = [1], strides = [1]} : vector<16xi32> to vector<1xi32>
      %squeeze3A_560 = vector.extract %slice3A_559[0] : i32 from vector<1xi32>
      %dma_start3A_561 = arith.constant 0 : i32
      %dma_start3A_562 = tpu.memref_slice %arg5[%squeeze3A_560, %dma_start3A_561] : memref<38x2048xf32, #tpu.memory_space<vmem>> -> memref<1x2048xf32, #tpu.memory_space<vmem>>
      %dma_start3A_563 = tpu.memref_squeeze %dma_start3A_562 : memref<1x2048xf32, #tpu.memory_space<vmem>> -> memref<2048xf32, #tpu.memory_space<vmem>>
      %dma_start3A_564 = arith.constant 0 : i32
      %dma_start3A_565 = tpu.memref_slice %arg4[%add3A_554, %select_n3A_558, %dma_start3A_564] : memref<1024x20x2048xf32, #tpu.memory_space<hbm>> -> memref<1x1x2048xf32, #tpu.memory_space<hbm>>
      %dma_start3A_566 = tpu.memref_squeeze %dma_start3A_565 : memref<1x1x2048xf32, #tpu.memory_space<hbm>> -> memref<2048xf32, #tpu.memory_space<hbm>>
      %dma_start3A_567 = arith.constant 0 : i32
      %dma_start3A_568 = tpu.memref_slice %arg4[%add3A_554, %select_n3A_558, %dma_start3A_567] : memref<1024x20x2048xf32, #tpu.memory_space<hbm>> -> memref<1x1x2048xf32, #tpu.memory_space<hbm>>
      %dma_start3A_569 = tpu.memref_squeeze %dma_start3A_568 : memref<1x1x2048xf32, #tpu.memory_space<hbm>> -> memref<2048xf32, #tpu.memory_space<hbm>>
      %dma_start3A_570 = arith.constant 0 : i32
      %dma_start3A_571 = tpu.memref_slice %arg5[%squeeze3A_560, %dma_start3A_570] : memref<38x2048xf32, #tpu.memory_space<vmem>> -> memref<1x2048xf32, #tpu.memory_space<vmem>>
      %dma_start3A_572 = tpu.memref_squeeze %dma_start3A_571 : memref<1x2048xf32, #tpu.memory_space<vmem>> -> memref<2048xf32, #tpu.memory_space<vmem>>
      tpu.enqueue_dma source(%dma_start3A_572 : memref<2048xf32, #tpu.memory_space<vmem>>) target(%dma_start3A_569 : memref<2048xf32, #tpu.memory_space<hbm>>) target_semaphore(%arg19 : memref<!tpu.dma_semaphore, #tpu.memory_space<semaphore_mem>>)
      %eq3A_573 = arith.constant 19 : i32
      %eq3A_574 = arith.cmpi eq, %select_n3A_558, %eq3A_573 : i32
      %jit3A_575 = arith.constant 1 : i32
      %jit3A_576 = arith.constant 0 : i32
      %select_n3A_577 = arith.select %eq3A_574, %jit3A_575, %jit3A_576 : i32
      %add3A_578 = arith.addi %add3A_554, %select_n3A_577 : i32
      %add3A_579 = arith.constant 1 : i32
      %add3A_580 = arith.addi %select_n3A_558, %add3A_579 : i32
      %jit3A_581 = arith.constant 0 : i32
      %select_n3A_582 = arith.select %eq3A_574, %jit3A_581, %add3A_580 : i32
      %slice3A_583 = vector.extract_strided_slice %get3A_254 {offsets = [13], sizes = [1], strides = [1]} : vector<16xi32> to vector<1xi32>
      %squeeze3A_584 = vector.extract %slice3A_583[0] : i32 from vector<1xi32>
      %dma_start3A_585 = arith.constant 0 : i32
      %dma_start3A_586 = tpu.memref_slice %arg5[%squeeze3A_584, %dma_start3A_585] : memref<38x2048xf32, #tpu.memory_space<vmem>> -> memref<1x2048xf32, #tpu.memory_space<vmem>>
      %dma_start3A_587 = tpu.memref_squeeze %dma_start3A_586 : memref<1x2048xf32, #tpu.memory_space<vmem>> -> memref<2048xf32, #tpu.memory_space<vmem>>
      %dma_start3A_588 = arith.constant 0 : i32
      %dma_start3A_589 = tpu.memref_slice %arg4[%add3A_578, %select_n3A_582, %dma_start3A_588] : memref<1024x20x2048xf32, #tpu.memory_space<hbm>> -> memref<1x1x2048xf32, #tpu.memory_space<hbm>>
      %dma_start3A_590 = tpu.memref_squeeze %dma_start3A_589 : memref<1x1x2048xf32, #tpu.memory_space<hbm>> -> memref<2048xf32, #tpu.memory_space<hbm>>
      %dma_start3A_591 = arith.constant 0 : i32
      %dma_start3A_592 = tpu.memref_slice %arg4[%add3A_578, %select_n3A_582, %dma_start3A_591] : memref<1024x20x2048xf32, #tpu.memory_space<hbm>> -> memref<1x1x2048xf32, #tpu.memory_space<hbm>>
      %dma_start3A_593 = tpu.memref_squeeze %dma_start3A_592 : memref<1x1x2048xf32, #tpu.memory_space<hbm>> -> memref<2048xf32, #tpu.memory_space<hbm>>
      %dma_start3A_594 = arith.constant 0 : i32
      %dma_start3A_595 = tpu.memref_slice %arg5[%squeeze3A_584, %dma_start3A_594] : memref<38x2048xf32, #tpu.memory_space<vmem>> -> memref<1x2048xf32, #tpu.memory_space<vmem>>
      %dma_start3A_596 = tpu.memref_squeeze %dma_start3A_595 : memref<1x2048xf32, #tpu.memory_space<vmem>> -> memref<2048xf32, #tpu.memory_space<vmem>>
      tpu.enqueue_dma source(%dma_start3A_596 : memref<2048xf32, #tpu.memory_space<vmem>>) target(%dma_start3A_593 : memref<2048xf32, #tpu.memory_space<hbm>>) target_semaphore(%arg20 : memref<!tpu.dma_semaphore, #tpu.memory_space<semaphore_mem>>)
      %eq3A_597 = arith.constant 19 : i32
      %eq3A_598 = arith.cmpi eq, %select_n3A_582, %eq3A_597 : i32
      %jit3A_599 = arith.constant 1 : i32
      %jit3A_600 = arith.constant 0 : i32
      %select_n3A_601 = arith.select %eq3A_598, %jit3A_599, %jit3A_600 : i32
      %add3A_602 = arith.addi %add3A_578, %select_n3A_601 : i32
      %add3A_603 = arith.constant 1 : i32
      %add3A_604 = arith.addi %select_n3A_582, %add3A_603 : i32
      %jit3A_605 = arith.constant 0 : i32
      %select_n3A_606 = arith.select %eq3A_598, %jit3A_605, %add3A_604 : i32
      %slice3A_607 = vector.extract_strided_slice %get3A_254 {offsets = [14], sizes = [1], strides = [1]} : vector<16xi32> to vector<1xi32>
      %squeeze3A_608 = vector.extract %slice3A_607[0] : i32 from vector<1xi32>
      %dma_start3A_609 = arith.constant 0 : i32
      %dma_start3A_610 = tpu.memref_slice %arg5[%squeeze3A_608, %dma_start3A_609] : memref<38x2048xf32, #tpu.memory_space<vmem>> -> memref<1x2048xf32, #tpu.memory_space<vmem>>
      %dma_start3A_611 = tpu.memref_squeeze %dma_start3A_610 : memref<1x2048xf32, #tpu.memory_space<vmem>> -> memref<2048xf32, #tpu.memory_space<vmem>>
      %dma_start3A_612 = arith.constant 0 : i32
      %dma_start3A_613 = tpu.memref_slice %arg4[%add3A_602, %select_n3A_606, %dma_start3A_612] : memref<1024x20x2048xf32, #tpu.memory_space<hbm>> -> memref<1x1x2048xf32, #tpu.memory_space<hbm>>
      %dma_start3A_614 = tpu.memref_squeeze %dma_start3A_613 : memref<1x1x2048xf32, #tpu.memory_space<hbm>> -> memref<2048xf32, #tpu.memory_space<hbm>>
      %dma_start3A_615 = arith.constant 0 : i32
      %dma_start3A_616 = tpu.memref_slice %arg4[%add3A_602, %select_n3A_606, %dma_start3A_615] : memref<1024x20x2048xf32, #tpu.memory_space<hbm>> -> memref<1x1x2048xf32, #tpu.memory_space<hbm>>
      %dma_start3A_617 = tpu.memref_squeeze %dma_start3A_616 : memref<1x1x2048xf32, #tpu.memory_space<hbm>> -> memref<2048xf32, #tpu.memory_space<hbm>>
      %dma_start3A_618 = arith.constant 0 : i32
      %dma_start3A_619 = tpu.memref_slice %arg5[%squeeze3A_608, %dma_start3A_618] : memref<38x2048xf32, #tpu.memory_space<vmem>> -> memref<1x2048xf32, #tpu.memory_space<vmem>>
      %dma_start3A_620 = tpu.memref_squeeze %dma_start3A_619 : memref<1x2048xf32, #tpu.memory_space<vmem>> -> memref<2048xf32, #tpu.memory_space<vmem>>
      tpu.enqueue_dma source(%dma_start3A_620 : memref<2048xf32, #tpu.memory_space<vmem>>) target(%dma_start3A_617 : memref<2048xf32, #tpu.memory_space<hbm>>) target_semaphore(%arg21 : memref<!tpu.dma_semaphore, #tpu.memory_space<semaphore_mem>>)
      %eq3A_621 = arith.constant 19 : i32
      %eq3A_622 = arith.cmpi eq, %select_n3A_606, %eq3A_621 : i32
      %jit3A_623 = arith.constant 1 : i32
      %jit3A_624 = arith.constant 0 : i32
      %select_n3A_625 = arith.select %eq3A_622, %jit3A_623, %jit3A_624 : i32
      %add3A_626 = arith.addi %add3A_602, %select_n3A_625 : i32
      %add3A_627 = arith.constant 1 : i32
      %add3A_628 = arith.addi %select_n3A_606, %add3A_627 : i32
      %jit3A_629 = arith.constant 0 : i32
      %select_n3A_630 = arith.select %eq3A_622, %jit3A_629, %add3A_628 : i32
      %slice3A_631 = vector.extract_strided_slice %get3A_254 {offsets = [15], sizes = [1], strides = [1]} : vector<16xi32> to vector<1xi32>
      %squeeze3A_632 = vector.extract %slice3A_631[0] : i32 from vector<1xi32>
      %dma_start3A_633 = arith.constant 0 : i32
      %dma_start3A_634 = tpu.memref_slice %arg5[%squeeze3A_632, %dma_start3A_633] : memref<38x2048xf32, #tpu.memory_space<vmem>> -> memref<1x2048xf32, #tpu.memory_space<vmem>>
      %dma_start3A_635 = tpu.memref_squeeze %dma_start3A_634 : memref<1x2048xf32, #tpu.memory_space<vmem>> -> memref<2048xf32, #tpu.memory_space<vmem>>
      %dma_start3A_636 = arith.constant 0 : i32
      %dma_start3A_637 = tpu.memref_slice %arg4[%add3A_626, %select_n3A_630, %dma_start3A_636] : memref<1024x20x2048xf32, #tpu.memory_space<hbm>> -> memref<1x1x2048xf32, #tpu.memory_space<hbm>>
      %dma_start3A_638 = tpu.memref_squeeze %dma_start3A_637 : memref<1x1x2048xf32, #tpu.memory_space<hbm>> -> memref<2048xf32, #tpu.memory_space<hbm>>
      %dma_start3A_639 = arith.constant 0 : i32
      %dma_start3A_640 = tpu.memref_slice %arg4[%add3A_626, %select_n3A_630, %dma_start3A_639] : memref<1024x20x2048xf32, #tpu.memory_space<hbm>> -> memref<1x1x2048xf32, #tpu.memory_space<hbm>>
      %dma_start3A_641 = tpu.memref_squeeze %dma_start3A_640 : memref<1x1x2048xf32, #tpu.memory_space<hbm>> -> memref<2048xf32, #tpu.memory_space<hbm>>
      %dma_start3A_642 = arith.constant 0 : i32
      %dma_start3A_643 = tpu.memref_slice %arg5[%squeeze3A_632, %dma_start3A_642] : memref<38x2048xf32, #tpu.memory_space<vmem>> -> memref<1x2048xf32, #tpu.memory_space<vmem>>
      %dma_start3A_644 = tpu.memref_squeeze %dma_start3A_643 : memref<1x2048xf32, #tpu.memory_space<vmem>> -> memref<2048xf32, #tpu.memory_space<vmem>>
      tpu.enqueue_dma source(%dma_start3A_644 : memref<2048xf32, #tpu.memory_space<vmem>>) target(%dma_start3A_641 : memref<2048xf32, #tpu.memory_space<hbm>>) target_semaphore(%arg22 : memref<!tpu.dma_semaphore, #tpu.memory_space<semaphore_mem>>)
      %eq3A_645 = arith.constant 19 : i32
      %eq3A_646 = arith.cmpi eq, %select_n3A_630, %eq3A_645 : i32
      %jit3A_647 = arith.constant 1 : i32
      %jit3A_648 = arith.constant 0 : i32
      %select_n3A_649 = arith.select %eq3A_646, %jit3A_647, %jit3A_648 : i32
      %add3A_650 = arith.addi %add3A_626, %select_n3A_649 : i32
      %add3A_651 = arith.constant 1 : i32
      %add3A_652 = arith.addi %select_n3A_630, %add3A_651 : i32
      %jit3A_653 = arith.constant 0 : i32
      %select_n3A_654 = arith.select %eq3A_646, %jit3A_653, %add3A_652 : i32
    }
    %scan3A_6 = arith.constant 40 : i32
    %dma_wait3A = arith.constant 0 : i32
    %dma_wait3A_7 = arith.constant 0 : i32
    %dma_wait3A_8 = arith.constant 0 : i32
    %dma_wait3A_9 = arith.constant 0 : i32
    %dma_wait3A_10 = tpu.memref_slice %arg5[%dma_wait3A, %dma_wait3A_9] : memref<38x2048xf32, #tpu.memory_space<vmem>> -> memref<1x2048xf32, #tpu.memory_space<vmem>>
    %dma_wait3A_11 = tpu.memref_squeeze %dma_wait3A_10 : memref<1x2048xf32, #tpu.memory_space<vmem>> -> memref<2048xf32, #tpu.memory_space<vmem>>
    %dma_wait3A_12 = arith.constant 0 : i32
    %dma_wait3A_13 = tpu.memref_slice %arg4[%dma_wait3A_7, %dma_wait3A_8, %dma_wait3A_12] : memref<1024x20x2048xf32, #tpu.memory_space<hbm>> -> memref<1x1x2048xf32, #tpu.memory_space<hbm>>
    %dma_wait3A_14 = tpu.memref_squeeze %dma_wait3A_13 : memref<1x1x2048xf32, #tpu.memory_space<hbm>> -> memref<2048xf32, #tpu.memory_space<hbm>>
    %dma_wait3A_15 = arith.constant 0 : i32
    %dma_wait3A_16 = tpu.memref_slice %arg4[%dma_wait3A_7, %dma_wait3A_8, %dma_wait3A_15] : memref<1024x20x2048xf32, #tpu.memory_space<hbm>> -> memref<1x1x2048xf32, #tpu.memory_space<hbm>>
    %dma_wait3A_17 = tpu.memref_squeeze %dma_wait3A_16 : memref<1x1x2048xf32, #tpu.memory_space<hbm>> -> memref<2048xf32, #tpu.memory_space<hbm>>
    %dma_wait3A_18 = arith.constant 0 : i32
    %dma_wait3A_19 = tpu.memref_slice %arg5[%dma_wait3A, %dma_wait3A_18] : memref<38x2048xf32, #tpu.memory_space<vmem>> -> memref<1x2048xf32, #tpu.memory_space<vmem>>
    %dma_wait3A_20 = tpu.memref_squeeze %dma_wait3A_19 : memref<1x2048xf32, #tpu.memory_space<vmem>> -> memref<2048xf32, #tpu.memory_space<vmem>>
    tpu.wait_dma2 semaphore(%arg7 : memref<!tpu.dma_semaphore, #tpu.memory_space<semaphore_mem>>) src(%dma_wait3A_20 : memref<2048xf32, #tpu.memory_space<vmem>>) dst(%dma_wait3A_17 : memref<2048xf32, #tpu.memory_space<hbm>>)
    %dma_wait3A_21 = arith.constant 0 : i32
    %dma_wait3A_22 = arith.constant 0 : i32
    %dma_wait3A_23 = arith.constant 0 : i32
    %dma_wait3A_24 = arith.constant 0 : i32
    %dma_wait3A_25 = tpu.memref_slice %arg5[%dma_wait3A_21, %dma_wait3A_24] : memref<38x2048xf32, #tpu.memory_space<vmem>> -> memref<1x2048xf32, #tpu.memory_space<vmem>>
    %dma_wait3A_26 = tpu.memref_squeeze %dma_wait3A_25 : memref<1x2048xf32, #tpu.memory_space<vmem>> -> memref<2048xf32, #tpu.memory_space<vmem>>
    %dma_wait3A_27 = arith.constant 0 : i32
    %dma_wait3A_28 = tpu.memref_slice %arg4[%dma_wait3A_22, %dma_wait3A_23, %dma_wait3A_27] : memref<1024x20x2048xf32, #tpu.memory_space<hbm>> -> memref<1x1x2048xf32, #tpu.memory_space<hbm>>
    %dma_wait3A_29 = tpu.memref_squeeze %dma_wait3A_28 : memref<1x1x2048xf32, #tpu.memory_space<hbm>> -> memref<2048xf32, #tpu.memory_space<hbm>>
    %dma_wait3A_30 = arith.constant 0 : i32
    %dma_wait3A_31 = tpu.memref_slice %arg4[%dma_wait3A_22, %dma_wait3A_23, %dma_wait3A_30] : memref<1024x20x2048xf32, #tpu.memory_space<hbm>> -> memref<1x1x2048xf32, #tpu.memory_space<hbm>>
    %dma_wait3A_32 = tpu.memref_squeeze %dma_wait3A_31 : memref<1x1x2048xf32, #tpu.memory_space<hbm>> -> memref<2048xf32, #tpu.memory_space<hbm>>
    %dma_wait3A_33 = arith.constant 0 : i32
    %dma_wait3A_34 = tpu.memref_slice %arg5[%dma_wait3A_21, %dma_wait3A_33] : memref<38x2048xf32, #tpu.memory_space<vmem>> -> memref<1x2048xf32, #tpu.memory_space<vmem>>
    %dma_wait3A_35 = tpu.memref_squeeze %dma_wait3A_34 : memref<1x2048xf32, #tpu.memory_space<vmem>> -> memref<2048xf32, #tpu.memory_space<vmem>>
    tpu.wait_dma2 semaphore(%arg8 : memref<!tpu.dma_semaphore, #tpu.memory_space<semaphore_mem>>) src(%dma_wait3A_35 : memref<2048xf32, #tpu.memory_space<vmem>>) dst(%dma_wait3A_32 : memref<2048xf32, #tpu.memory_space<hbm>>)
    %dma_wait3A_36 = arith.constant 0 : i32
    %dma_wait3A_37 = arith.constant 0 : i32
    %dma_wait3A_38 = arith.constant 0 : i32
    %dma_wait3A_39 = arith.constant 0 : i32
    %dma_wait3A_40 = tpu.memref_slice %arg5[%dma_wait3A_36, %dma_wait3A_39] : memref<38x2048xf32, #tpu.memory_space<vmem>> -> memref<1x2048xf32, #tpu.memory_space<vmem>>
    %dma_wait3A_41 = tpu.memref_squeeze %dma_wait3A_40 : memref<1x2048xf32, #tpu.memory_space<vmem>> -> memref<2048xf32, #tpu.memory_space<vmem>>
    %dma_wait3A_42 = arith.constant 0 : i32
    %dma_wait3A_43 = tpu.memref_slice %arg4[%dma_wait3A_37, %dma_wait3A_38, %dma_wait3A_42] : memref<1024x20x2048xf32, #tpu.memory_space<hbm>> -> memref<1x1x2048xf32, #tpu.memory_space<hbm>>
    %dma_wait3A_44 = tpu.memref_squeeze %dma_wait3A_43 : memref<1x1x2048xf32, #tpu.memory_space<hbm>> -> memref<2048xf32, #tpu.memory_space<hbm>>
    %dma_wait3A_45 = arith.constant 0 : i32
    %dma_wait3A_46 = tpu.memref_slice %arg4[%dma_wait3A_37, %dma_wait3A_38, %dma_wait3A_45] : memref<1024x20x2048xf32, #tpu.memory_space<hbm>> -> memref<1x1x2048xf32, #tpu.memory_space<hbm>>
    %dma_wait3A_47 = tpu.memref_squeeze %dma_wait3A_46 : memref<1x1x2048xf32, #tpu.memory_space<hbm>> -> memref<2048xf32, #tpu.memory_space<hbm>>
    %dma_wait3A_48 = arith.constant 0 : i32
    %dma_wait3A_49 = tpu.memref_slice %arg5[%dma_wait3A_36, %dma_wait3A_48] : memref<38x2048xf32, #tpu.memory_space<vmem>> -> memref<1x2048xf32, #tpu.memory_space<vmem>>
    %dma_wait3A_50 = tpu.memref_squeeze %dma_wait3A_49 : memref<1x2048xf32, #tpu.memory_space<vmem>> -> memref<2048xf32, #tpu.memory_space<vmem>>
    tpu.wait_dma2 semaphore(%arg9 : memref<!tpu.dma_semaphore, #tpu.memory_space<semaphore_mem>>) src(%dma_wait3A_50 : memref<2048xf32, #tpu.memory_space<vmem>>) dst(%dma_wait3A_47 : memref<2048xf32, #tpu.memory_space<hbm>>)
    %dma_wait3A_51 = arith.constant 0 : i32
    %dma_wait3A_52 = arith.constant 0 : i32
    %dma_wait3A_53 = arith.constant 0 : i32
    %dma_wait3A_54 = arith.constant 0 : i32
    %dma_wait3A_55 = tpu.memref_slice %arg5[%dma_wait3A_51, %dma_wait3A_54] : memref<38x2048xf32, #tpu.memory_space<vmem>> -> memref<1x2048xf32, #tpu.memory_space<vmem>>
    %dma_wait3A_56 = tpu.memref_squeeze %dma_wait3A_55 : memref<1x2048xf32, #tpu.memory_space<vmem>> -> memref<2048xf32, #tpu.memory_space<vmem>>
    %dma_wait3A_57 = arith.constant 0 : i32
    %dma_wait3A_58 = tpu.memref_slice %arg4[%dma_wait3A_52, %dma_wait3A_53, %dma_wait3A_57] : memref<1024x20x2048xf32, #tpu.memory_space<hbm>> -> memref<1x1x2048xf32, #tpu.memory_space<hbm>>
    %dma_wait3A_59 = tpu.memref_squeeze %dma_wait3A_58 : memref<1x1x2048xf32, #tpu.memory_space<hbm>> -> memref<2048xf32, #tpu.memory_space<hbm>>
    %dma_wait3A_60 = arith.constant 0 : i32
    %dma_wait3A_61 = tpu.memref_slice %arg4[%dma_wait3A_52, %dma_wait3A_53, %dma_wait3A_60] : memref<1024x20x2048xf32, #tpu.memory_space<hbm>> -> memref<1x1x2048xf32, #tpu.memory_space<hbm>>
    %dma_wait3A_62 = tpu.memref_squeeze %dma_wait3A_61 : memref<1x1x2048xf32, #tpu.memory_space<hbm>> -> memref<2048xf32, #tpu.memory_space<hbm>>
    %dma_wait3A_63 = arith.constant 0 : i32
    %dma_wait3A_64 = tpu.memref_slice %arg5[%dma_wait3A_51, %dma_wait3A_63] : memref<38x2048xf32, #tpu.memory_space<vmem>> -> memref<1x2048xf32, #tpu.memory_space<vmem>>
    %dma_wait3A_65 = tpu.memref_squeeze %dma_wait3A_64 : memref<1x2048xf32, #tpu.memory_space<vmem>> -> memref<2048xf32, #tpu.memory_space<vmem>>
    tpu.wait_dma2 semaphore(%arg10 : memref<!tpu.dma_semaphore, #tpu.memory_space<semaphore_mem>>) src(%dma_wait3A_65 : memref<2048xf32, #tpu.memory_space<vmem>>) dst(%dma_wait3A_62 : memref<2048xf32, #tpu.memory_space<hbm>>)
    %dma_wait3A_66 = arith.constant 0 : i32
    %dma_wait3A_67 = arith.constant 0 : i32
    %dma_wait3A_68 = arith.constant 0 : i32
    %dma_wait3A_69 = arith.constant 0 : i32
    %dma_wait3A_70 = tpu.memref_slice %arg5[%dma_wait3A_66, %dma_wait3A_69] : memref<38x2048xf32, #tpu.memory_space<vmem>> -> memref<1x2048xf32, #tpu.memory_space<vmem>>
    %dma_wait3A_71 = tpu.memref_squeeze %dma_wait3A_70 : memref<1x2048xf32, #tpu.memory_space<vmem>> -> memref<2048xf32, #tpu.memory_space<vmem>>
    %dma_wait3A_72 = arith.constant 0 : i32
    %dma_wait3A_73 = tpu.memref_slice %arg4[%dma_wait3A_67, %dma_wait3A_68, %dma_wait3A_72] : memref<1024x20x2048xf32, #tpu.memory_space<hbm>> -> memref<1x1x2048xf32, #tpu.memory_space<hbm>>
    %dma_wait3A_74 = tpu.memref_squeeze %dma_wait3A_73 : memref<1x1x2048xf32, #tpu.memory_space<hbm>> -> memref<2048xf32, #tpu.memory_space<hbm>>
    %dma_wait3A_75 = arith.constant 0 : i32
    %dma_wait3A_76 = tpu.memref_slice %arg4[%dma_wait3A_67, %dma_wait3A_68, %dma_wait3A_75] : memref<1024x20x2048xf32, #tpu.memory_space<hbm>> -> memref<1x1x2048xf32, #tpu.memory_space<hbm>>
    %dma_wait3A_77 = tpu.memref_squeeze %dma_wait3A_76 : memref<1x1x2048xf32, #tpu.memory_space<hbm>> -> memref<2048xf32, #tpu.memory_space<hbm>>
    %dma_wait3A_78 = arith.constant 0 : i32
    %dma_wait3A_79 = tpu.memref_slice %arg5[%dma_wait3A_66, %dma_wait3A_78] : memref<38x2048xf32, #tpu.memory_space<vmem>> -> memref<1x2048xf32, #tpu.memory_space<vmem>>
    %dma_wait3A_80 = tpu.memref_squeeze %dma_wait3A_79 : memref<1x2048xf32, #tpu.memory_space<vmem>> -> memref<2048xf32, #tpu.memory_space<vmem>>
    tpu.wait_dma2 semaphore(%arg11 : memref<!tpu.dma_semaphore, #tpu.memory_space<semaphore_mem>>) src(%dma_wait3A_80 : memref<2048xf32, #tpu.memory_space<vmem>>) dst(%dma_wait3A_77 : memref<2048xf32, #tpu.memory_space<hbm>>)
    %dma_wait3A_81 = arith.constant 0 : i32
    %dma_wait3A_82 = arith.constant 0 : i32
    %dma_wait3A_83 = arith.constant 0 : i32
    %dma_wait3A_84 = arith.constant 0 : i32
    %dma_wait3A_85 = tpu.memref_slice %arg5[%dma_wait3A_81, %dma_wait3A_84] : memref<38x2048xf32, #tpu.memory_space<vmem>> -> memref<1x2048xf32, #tpu.memory_space<vmem>>
    %dma_wait3A_86 = tpu.memref_squeeze %dma_wait3A_85 : memref<1x2048xf32, #tpu.memory_space<vmem>> -> memref<2048xf32, #tpu.memory_space<vmem>>
    %dma_wait3A_87 = arith.constant 0 : i32
    %dma_wait3A_88 = tpu.memref_slice %arg4[%dma_wait3A_82, %dma_wait3A_83, %dma_wait3A_87] : memref<1024x20x2048xf32, #tpu.memory_space<hbm>> -> memref<1x1x2048xf32, #tpu.memory_space<hbm>>
    %dma_wait3A_89 = tpu.memref_squeeze %dma_wait3A_88 : memref<1x1x2048xf32, #tpu.memory_space<hbm>> -> memref<2048xf32, #tpu.memory_space<hbm>>
    %dma_wait3A_90 = arith.constant 0 : i32
    %dma_wait3A_91 = tpu.memref_slice %arg4[%dma_wait3A_82, %dma_wait3A_83, %dma_wait3A_90] : memref<1024x20x2048xf32, #tpu.memory_space<hbm>> -> memref<1x1x2048xf32, #tpu.memory_space<hbm>>
    %dma_wait3A_92 = tpu.memref_squeeze %dma_wait3A_91 : memref<1x1x2048xf32, #tpu.memory_space<hbm>> -> memref<2048xf32, #tpu.memory_space<hbm>>
    %dma_wait3A_93 = arith.constant 0 : i32
    %dma_wait3A_94 = tpu.memref_slice %arg5[%dma_wait3A_81, %dma_wait3A_93] : memref<38x2048xf32, #tpu.memory_space<vmem>> -> memref<1x2048xf32, #tpu.memory_space<vmem>>
    %dma_wait3A_95 = tpu.memref_squeeze %dma_wait3A_94 : memref<1x2048xf32, #tpu.memory_space<vmem>> -> memref<2048xf32, #tpu.memory_space<vmem>>
    tpu.wait_dma2 semaphore(%arg12 : memref<!tpu.dma_semaphore, #tpu.memory_space<semaphore_mem>>) src(%dma_wait3A_95 : memref<2048xf32, #tpu.memory_space<vmem>>) dst(%dma_wait3A_92 : memref<2048xf32, #tpu.memory_space<hbm>>)
    %dma_wait3A_96 = arith.constant 0 : i32
    %dma_wait3A_97 = arith.constant 0 : i32
    %dma_wait3A_98 = arith.constant 0 : i32
    %dma_wait3A_99 = arith.constant 0 : i32
    %dma_wait3A_100 = tpu.memref_slice %arg5[%dma_wait3A_96, %dma_wait3A_99] : memref<38x2048xf32, #tpu.memory_space<vmem>> -> memref<1x2048xf32, #tpu.memory_space<vmem>>
    %dma_wait3A_101 = tpu.memref_squeeze %dma_wait3A_100 : memref<1x2048xf32, #tpu.memory_space<vmem>> -> memref<2048xf32, #tpu.memory_space<vmem>>
    %dma_wait3A_102 = arith.constant 0 : i32
    %dma_wait3A_103 = tpu.memref_slice %arg4[%dma_wait3A_97, %dma_wait3A_98, %dma_wait3A_102] : memref<1024x20x2048xf32, #tpu.memory_space<hbm>> -> memref<1x1x2048xf32, #tpu.memory_space<hbm>>
    %dma_wait3A_104 = tpu.memref_squeeze %dma_wait3A_103 : memref<1x1x2048xf32, #tpu.memory_space<hbm>> -> memref<2048xf32, #tpu.memory_space<hbm>>
    %dma_wait3A_105 = arith.constant 0 : i32
    %dma_wait3A_106 = tpu.memref_slice %arg4[%dma_wait3A_97, %dma_wait3A_98, %dma_wait3A_105] : memref<1024x20x2048xf32, #tpu.memory_space<hbm>> -> memref<1x1x2048xf32, #tpu.memory_space<hbm>>
    %dma_wait3A_107 = tpu.memref_squeeze %dma_wait3A_106 : memref<1x1x2048xf32, #tpu.memory_space<hbm>> -> memref<2048xf32, #tpu.memory_space<hbm>>
    %dma_wait3A_108 = arith.constant 0 : i32
    %dma_wait3A_109 = tpu.memref_slice %arg5[%dma_wait3A_96, %dma_wait3A_108] : memref<38x2048xf32, #tpu.memory_space<vmem>> -> memref<1x2048xf32, #tpu.memory_space<vmem>>
    %dma_wait3A_110 = tpu.memref_squeeze %dma_wait3A_109 : memref<1x2048xf32, #tpu.memory_space<vmem>> -> memref<2048xf32, #tpu.memory_space<vmem>>
    tpu.wait_dma2 semaphore(%arg13 : memref<!tpu.dma_semaphore, #tpu.memory_space<semaphore_mem>>) src(%dma_wait3A_110 : memref<2048xf32, #tpu.memory_space<vmem>>) dst(%dma_wait3A_107 : memref<2048xf32, #tpu.memory_space<hbm>>)
    %dma_wait3A_111 = arith.constant 0 : i32
    %dma_wait3A_112 = arith.constant 0 : i32
    %dma_wait3A_113 = arith.constant 0 : i32
    %dma_wait3A_114 = arith.constant 0 : i32
    %dma_wait3A_115 = tpu.memref_slice %arg5[%dma_wait3A_111, %dma_wait3A_114] : memref<38x2048xf32, #tpu.memory_space<vmem>> -> memref<1x2048xf32, #tpu.memory_space<vmem>>
    %dma_wait3A_116 = tpu.memref_squeeze %dma_wait3A_115 : memref<1x2048xf32, #tpu.memory_space<vmem>> -> memref<2048xf32, #tpu.memory_space<vmem>>
    %dma_wait3A_117 = arith.constant 0 : i32
    %dma_wait3A_118 = tpu.memref_slice %arg4[%dma_wait3A_112, %dma_wait3A_113, %dma_wait3A_117] : memref<1024x20x2048xf32, #tpu.memory_space<hbm>> -> memref<1x1x2048xf32, #tpu.memory_space<hbm>>
    %dma_wait3A_119 = tpu.memref_squeeze %dma_wait3A_118 : memref<1x1x2048xf32, #tpu.memory_space<hbm>> -> memref<2048xf32, #tpu.memory_space<hbm>>
    %dma_wait3A_120 = arith.constant 0 : i32
    %dma_wait3A_121 = tpu.memref_slice %arg4[%dma_wait3A_112, %dma_wait3A_113, %dma_wait3A_120] : memref<1024x20x2048xf32, #tpu.memory_space<hbm>> -> memref<1x1x2048xf32, #tpu.memory_space<hbm>>
    %dma_wait3A_122 = tpu.memref_squeeze %dma_wait3A_121 : memref<1x1x2048xf32, #tpu.memory_space<hbm>> -> memref<2048xf32, #tpu.memory_space<hbm>>
    %dma_wait3A_123 = arith.constant 0 : i32
    %dma_wait3A_124 = tpu.memref_slice %arg5[%dma_wait3A_111, %dma_wait3A_123] : memref<38x2048xf32, #tpu.memory_space<vmem>> -> memref<1x2048xf32, #tpu.memory_space<vmem>>
    %dma_wait3A_125 = tpu.memref_squeeze %dma_wait3A_124 : memref<1x2048xf32, #tpu.memory_space<vmem>> -> memref<2048xf32, #tpu.memory_space<vmem>>
    tpu.wait_dma2 semaphore(%arg14 : memref<!tpu.dma_semaphore, #tpu.memory_space<semaphore_mem>>) src(%dma_wait3A_125 : memref<2048xf32, #tpu.memory_space<vmem>>) dst(%dma_wait3A_122 : memref<2048xf32, #tpu.memory_space<hbm>>)
    %dma_wait3A_126 = arith.constant 0 : i32
    %dma_wait3A_127 = arith.constant 0 : i32
    %dma_wait3A_128 = arith.constant 0 : i32
    %dma_wait3A_129 = arith.constant 0 : i32
    %dma_wait3A_130 = tpu.memref_slice %arg5[%dma_wait3A_126, %dma_wait3A_129] : memref<38x2048xf32, #tpu.memory_space<vmem>> -> memref<1x2048xf32, #tpu.memory_space<vmem>>
    %dma_wait3A_131 = tpu.memref_squeeze %dma_wait3A_130 : memref<1x2048xf32, #tpu.memory_space<vmem>> -> memref<2048xf32, #tpu.memory_space<vmem>>
    %dma_wait3A_132 = arith.constant 0 : i32
    %dma_wait3A_133 = tpu.memref_slice %arg4[%dma_wait3A_127, %dma_wait3A_128, %dma_wait3A_132] : memref<1024x20x2048xf32, #tpu.memory_space<hbm>> -> memref<1x1x2048xf32, #tpu.memory_space<hbm>>
    %dma_wait3A_134 = tpu.memref_squeeze %dma_wait3A_133 : memref<1x1x2048xf32, #tpu.memory_space<hbm>> -> memref<2048xf32, #tpu.memory_space<hbm>>
    %dma_wait3A_135 = arith.constant 0 : i32
    %dma_wait3A_136 = tpu.memref_slice %arg4[%dma_wait3A_127, %dma_wait3A_128, %dma_wait3A_135] : memref<1024x20x2048xf32, #tpu.memory_space<hbm>> -> memref<1x1x2048xf32, #tpu.memory_space<hbm>>
    %dma_wait3A_137 = tpu.memref_squeeze %dma_wait3A_136 : memref<1x1x2048xf32, #tpu.memory_space<hbm>> -> memref<2048xf32, #tpu.memory_space<hbm>>
    %dma_wait3A_138 = arith.constant 0 : i32
    %dma_wait3A_139 = tpu.memref_slice %arg5[%dma_wait3A_126, %dma_wait3A_138] : memref<38x2048xf32, #tpu.memory_space<vmem>> -> memref<1x2048xf32, #tpu.memory_space<vmem>>
    %dma_wait3A_140 = tpu.memref_squeeze %dma_wait3A_139 : memref<1x2048xf32, #tpu.memory_space<vmem>> -> memref<2048xf32, #tpu.memory_space<vmem>>
    tpu.wait_dma2 semaphore(%arg15 : memref<!tpu.dma_semaphore, #tpu.memory_space<semaphore_mem>>) src(%dma_wait3A_140 : memref<2048xf32, #tpu.memory_space<vmem>>) dst(%dma_wait3A_137 : memref<2048xf32, #tpu.memory_space<hbm>>)
    %dma_wait3A_141 = arith.constant 0 : i32
    %dma_wait3A_142 = arith.constant 0 : i32
    %dma_wait3A_143 = arith.constant 0 : i32
    %dma_wait3A_144 = arith.constant 0 : i32
    %dma_wait3A_145 = tpu.memref_slice %arg5[%dma_wait3A_141, %dma_wait3A_144] : memref<38x2048xf32, #tpu.memory_space<vmem>> -> memref<1x2048xf32, #tpu.memory_space<vmem>>
    %dma_wait3A_146 = tpu.memref_squeeze %dma_wait3A_145 : memref<1x2048xf32, #tpu.memory_space<vmem>> -> memref<2048xf32, #tpu.memory_space<vmem>>
    %dma_wait3A_147 = arith.constant 0 : i32
    %dma_wait3A_148 = tpu.memref_slice %arg4[%dma_wait3A_142, %dma_wait3A_143, %dma_wait3A_147] : memref<1024x20x2048xf32, #tpu.memory_space<hbm>> -> memref<1x1x2048xf32, #tpu.memory_space<hbm>>
    %dma_wait3A_149 = tpu.memref_squeeze %dma_wait3A_148 : memref<1x1x2048xf32, #tpu.memory_space<hbm>> -> memref<2048xf32, #tpu.memory_space<hbm>>
    %dma_wait3A_150 = arith.constant 0 : i32
    %dma_wait3A_151 = tpu.memref_slice %arg4[%dma_wait3A_142, %dma_wait3A_143, %dma_wait3A_150] : memref<1024x20x2048xf32, #tpu.memory_space<hbm>> -> memref<1x1x2048xf32, #tpu.memory_space<hbm>>
    %dma_wait3A_152 = tpu.memref_squeeze %dma_wait3A_151 : memref<1x1x2048xf32, #tpu.memory_space<hbm>> -> memref<2048xf32, #tpu.memory_space<hbm>>
    %dma_wait3A_153 = arith.constant 0 : i32
    %dma_wait3A_154 = tpu.memref_slice %arg5[%dma_wait3A_141, %dma_wait3A_153] : memref<38x2048xf32, #tpu.memory_space<vmem>> -> memref<1x2048xf32, #tpu.memory_space<vmem>>
    %dma_wait3A_155 = tpu.memref_squeeze %dma_wait3A_154 : memref<1x2048xf32, #tpu.memory_space<vmem>> -> memref<2048xf32, #tpu.memory_space<vmem>>
    tpu.wait_dma2 semaphore(%arg16 : memref<!tpu.dma_semaphore, #tpu.memory_space<semaphore_mem>>) src(%dma_wait3A_155 : memref<2048xf32, #tpu.memory_space<vmem>>) dst(%dma_wait3A_152 : memref<2048xf32, #tpu.memory_space<hbm>>)
    %dma_wait3A_156 = arith.constant 0 : i32
    %dma_wait3A_157 = arith.constant 0 : i32
    %dma_wait3A_158 = arith.constant 0 : i32
    %dma_wait3A_159 = arith.constant 0 : i32
    %dma_wait3A_160 = tpu.memref_slice %arg5[%dma_wait3A_156, %dma_wait3A_159] : memref<38x2048xf32, #tpu.memory_space<vmem>> -> memref<1x2048xf32, #tpu.memory_space<vmem>>
    %dma_wait3A_161 = tpu.memref_squeeze %dma_wait3A_160 : memref<1x2048xf32, #tpu.memory_space<vmem>> -> memref<2048xf32, #tpu.memory_space<vmem>>
    %dma_wait3A_162 = arith.constant 0 : i32
    %dma_wait3A_163 = tpu.memref_slice %arg4[%dma_wait3A_157, %dma_wait3A_158, %dma_wait3A_162] : memref<1024x20x2048xf32, #tpu.memory_space<hbm>> -> memref<1x1x2048xf32, #tpu.memory_space<hbm>>
    %dma_wait3A_164 = tpu.memref_squeeze %dma_wait3A_163 : memref<1x1x2048xf32, #tpu.memory_space<hbm>> -> memref<2048xf32, #tpu.memory_space<hbm>>
    %dma_wait3A_165 = arith.constant 0 : i32
    %dma_wait3A_166 = tpu.memref_slice %arg4[%dma_wait3A_157, %dma_wait3A_158, %dma_wait3A_165] : memref<1024x20x2048xf32, #tpu.memory_space<hbm>> -> memref<1x1x2048xf32, #tpu.memory_space<hbm>>
    %dma_wait3A_167 = tpu.memref_squeeze %dma_wait3A_166 : memref<1x1x2048xf32, #tpu.memory_space<hbm>> -> memref<2048xf32, #tpu.memory_space<hbm>>
    %dma_wait3A_168 = arith.constant 0 : i32
    %dma_wait3A_169 = tpu.memref_slice %arg5[%dma_wait3A_156, %dma_wait3A_168] : memref<38x2048xf32, #tpu.memory_space<vmem>> -> memref<1x2048xf32, #tpu.memory_space<vmem>>
    %dma_wait3A_170 = tpu.memref_squeeze %dma_wait3A_169 : memref<1x2048xf32, #tpu.memory_space<vmem>> -> memref<2048xf32, #tpu.memory_space<vmem>>
    tpu.wait_dma2 semaphore(%arg17 : memref<!tpu.dma_semaphore, #tpu.memory_space<semaphore_mem>>) src(%dma_wait3A_170 : memref<2048xf32, #tpu.memory_space<vmem>>) dst(%dma_wait3A_167 : memref<2048xf32, #tpu.memory_space<hbm>>)
    %dma_wait3A_171 = arith.constant 0 : i32
    %dma_wait3A_172 = arith.constant 0 : i32
    %dma_wait3A_173 = arith.constant 0 : i32
    %dma_wait3A_174 = arith.constant 0 : i32
    %dma_wait3A_175 = tpu.memref_slice %arg5[%dma_wait3A_171, %dma_wait3A_174] : memref<38x2048xf32, #tpu.memory_space<vmem>> -> memref<1x2048xf32, #tpu.memory_space<vmem>>
    %dma_wait3A_176 = tpu.memref_squeeze %dma_wait3A_175 : memref<1x2048xf32, #tpu.memory_space<vmem>> -> memref<2048xf32, #tpu.memory_space<vmem>>
    %dma_wait3A_177 = arith.constant 0 : i32
    %dma_wait3A_178 = tpu.memref_slice %arg4[%dma_wait3A_172, %dma_wait3A_173, %dma_wait3A_177] : memref<1024x20x2048xf32, #tpu.memory_space<hbm>> -> memref<1x1x2048xf32, #tpu.memory_space<hbm>>
    %dma_wait3A_179 = tpu.memref_squeeze %dma_wait3A_178 : memref<1x1x2048xf32, #tpu.memory_space<hbm>> -> memref<2048xf32, #tpu.memory_space<hbm>>
    %dma_wait3A_180 = arith.constant 0 : i32
    %dma_wait3A_181 = tpu.memref_slice %arg4[%dma_wait3A_172, %dma_wait3A_173, %dma_wait3A_180] : memref<1024x20x2048xf32, #tpu.memory_space<hbm>> -> memref<1x1x2048xf32, #tpu.memory_space<hbm>>
    %dma_wait3A_182 = tpu.memref_squeeze %dma_wait3A_181 : memref<1x1x2048xf32, #tpu.memory_space<hbm>> -> memref<2048xf32, #tpu.memory_space<hbm>>
    %dma_wait3A_183 = arith.constant 0 : i32
    %dma_wait3A_184 = tpu.memref_slice %arg5[%dma_wait3A_171, %dma_wait3A_183] : memref<38x2048xf32, #tpu.memory_space<vmem>> -> memref<1x2048xf32, #tpu.memory_space<vmem>>
    %dma_wait3A_185 = tpu.memref_squeeze %dma_wait3A_184 : memref<1x2048xf32, #tpu.memory_space<vmem>> -> memref<2048xf32, #tpu.memory_space<vmem>>
    tpu.wait_dma2 semaphore(%arg18 : memref<!tpu.dma_semaphore, #tpu.memory_space<semaphore_mem>>) src(%dma_wait3A_185 : memref<2048xf32, #tpu.memory_space<vmem>>) dst(%dma_wait3A_182 : memref<2048xf32, #tpu.memory_space<hbm>>)
    %dma_wait3A_186 = arith.constant 0 : i32
    %dma_wait3A_187 = arith.constant 0 : i32
    %dma_wait3A_188 = arith.constant 0 : i32
    %dma_wait3A_189 = arith.constant 0 : i32
    %dma_wait3A_190 = tpu.memref_slice %arg5[%dma_wait3A_186, %dma_wait3A_189] : memref<38x2048xf32, #tpu.memory_space<vmem>> -> memref<1x2048xf32, #tpu.memory_space<vmem>>
    %dma_wait3A_191 = tpu.memref_squeeze %dma_wait3A_190 : memref<1x2048xf32, #tpu.memory_space<vmem>> -> memref<2048xf32, #tpu.memory_space<vmem>>
    %dma_wait3A_192 = arith.constant 0 : i32
    %dma_wait3A_193 = tpu.memref_slice %arg4[%dma_wait3A_187, %dma_wait3A_188, %dma_wait3A_192] : memref<1024x20x2048xf32, #tpu.memory_space<hbm>> -> memref<1x1x2048xf32, #tpu.memory_space<hbm>>
    %dma_wait3A_194 = tpu.memref_squeeze %dma_wait3A_193 : memref<1x1x2048xf32, #tpu.memory_space<hbm>> -> memref<2048xf32, #tpu.memory_space<hbm>>
    %dma_wait3A_195 = arith.constant 0 : i32
    %dma_wait3A_196 = tpu.memref_slice %arg4[%dma_wait3A_187, %dma_wait3A_188, %dma_wait3A_195] : memref<1024x20x2048xf32, #tpu.memory_space<hbm>> -> memref<1x1x2048xf32, #tpu.memory_space<hbm>>
    %dma_wait3A_197 = tpu.memref_squeeze %dma_wait3A_196 : memref<1x1x2048xf32, #tpu.memory_space<hbm>> -> memref<2048xf32, #tpu.memory_space<hbm>>
    %dma_wait3A_198 = arith.constant 0 : i32
    %dma_wait3A_199 = tpu.memref_slice %arg5[%dma_wait3A_186, %dma_wait3A_198] : memref<38x2048xf32, #tpu.memory_space<vmem>> -> memref<1x2048xf32, #tpu.memory_space<vmem>>
    %dma_wait3A_200 = tpu.memref_squeeze %dma_wait3A_199 : memref<1x2048xf32, #tpu.memory_space<vmem>> -> memref<2048xf32, #tpu.memory_space<vmem>>
    tpu.wait_dma2 semaphore(%arg19 : memref<!tpu.dma_semaphore, #tpu.memory_space<semaphore_mem>>) src(%dma_wait3A_200 : memref<2048xf32, #tpu.memory_space<vmem>>) dst(%dma_wait3A_197 : memref<2048xf32, #tpu.memory_space<hbm>>)
    %dma_wait3A_201 = arith.constant 0 : i32
    %dma_wait3A_202 = arith.constant 0 : i32
    %dma_wait3A_203 = arith.constant 0 : i32
    %dma_wait3A_204 = arith.constant 0 : i32
    %dma_wait3A_205 = tpu.memref_slice %arg5[%dma_wait3A_201, %dma_wait3A_204] : memref<38x2048xf32, #tpu.memory_space<vmem>> -> memref<1x2048xf32, #tpu.memory_space<vmem>>
    %dma_wait3A_206 = tpu.memref_squeeze %dma_wait3A_205 : memref<1x2048xf32, #tpu.memory_space<vmem>> -> memref<2048xf32, #tpu.memory_space<vmem>>
    %dma_wait3A_207 = arith.constant 0 : i32
    %dma_wait3A_208 = tpu.memref_slice %arg4[%dma_wait3A_202, %dma_wait3A_203, %dma_wait3A_207] : memref<1024x20x2048xf32, #tpu.memory_space<hbm>> -> memref<1x1x2048xf32, #tpu.memory_space<hbm>>
    %dma_wait3A_209 = tpu.memref_squeeze %dma_wait3A_208 : memref<1x1x2048xf32, #tpu.memory_space<hbm>> -> memref<2048xf32, #tpu.memory_space<hbm>>
    %dma_wait3A_210 = arith.constant 0 : i32
    %dma_wait3A_211 = tpu.memref_slice %arg4[%dma_wait3A_202, %dma_wait3A_203, %dma_wait3A_210] : memref<1024x20x2048xf32, #tpu.memory_space<hbm>> -> memref<1x1x2048xf32, #tpu.memory_space<hbm>>
    %dma_wait3A_212 = tpu.memref_squeeze %dma_wait3A_211 : memref<1x1x2048xf32, #tpu.memory_space<hbm>> -> memref<2048xf32, #tpu.memory_space<hbm>>
    %dma_wait3A_213 = arith.constant 0 : i32
    %dma_wait3A_214 = tpu.memref_slice %arg5[%dma_wait3A_201, %dma_wait3A_213] : memref<38x2048xf32, #tpu.memory_space<vmem>> -> memref<1x2048xf32, #tpu.memory_space<vmem>>
    %dma_wait3A_215 = tpu.memref_squeeze %dma_wait3A_214 : memref<1x2048xf32, #tpu.memory_space<vmem>> -> memref<2048xf32, #tpu.memory_space<vmem>>
    tpu.wait_dma2 semaphore(%arg20 : memref<!tpu.dma_semaphore, #tpu.memory_space<semaphore_mem>>) src(%dma_wait3A_215 : memref<2048xf32, #tpu.memory_space<vmem>>) dst(%dma_wait3A_212 : memref<2048xf32, #tpu.memory_space<hbm>>)
    %dma_wait3A_216 = arith.constant 0 : i32
    %dma_wait3A_217 = arith.constant 0 : i32
    %dma_wait3A_218 = arith.constant 0 : i32
    %dma_wait3A_219 = arith.constant 0 : i32
    %dma_wait3A_220 = tpu.memref_slice %arg5[%dma_wait3A_216, %dma_wait3A_219] : memref<38x2048xf32, #tpu.memory_space<vmem>> -> memref<1x2048xf32, #tpu.memory_space<vmem>>
    %dma_wait3A_221 = tpu.memref_squeeze %dma_wait3A_220 : memref<1x2048xf32, #tpu.memory_space<vmem>> -> memref<2048xf32, #tpu.memory_space<vmem>>
    %dma_wait3A_222 = arith.constant 0 : i32
    %dma_wait3A_223 = tpu.memref_slice %arg4[%dma_wait3A_217, %dma_wait3A_218, %dma_wait3A_222] : memref<1024x20x2048xf32, #tpu.memory_space<hbm>> -> memref<1x1x2048xf32, #tpu.memory_space<hbm>>
    %dma_wait3A_224 = tpu.memref_squeeze %dma_wait3A_223 : memref<1x1x2048xf32, #tpu.memory_space<hbm>> -> memref<2048xf32, #tpu.memory_space<hbm>>
    %dma_wait3A_225 = arith.constant 0 : i32
    %dma_wait3A_226 = tpu.memref_slice %arg4[%dma_wait3A_217, %dma_wait3A_218, %dma_wait3A_225] : memref<1024x20x2048xf32, #tpu.memory_space<hbm>> -> memref<1x1x2048xf32, #tpu.memory_space<hbm>>
    %dma_wait3A_227 = tpu.memref_squeeze %dma_wait3A_226 : memref<1x1x2048xf32, #tpu.memory_space<hbm>> -> memref<2048xf32, #tpu.memory_space<hbm>>
    %dma_wait3A_228 = arith.constant 0 : i32
    %dma_wait3A_229 = tpu.memref_slice %arg5[%dma_wait3A_216, %dma_wait3A_228] : memref<38x2048xf32, #tpu.memory_space<vmem>> -> memref<1x2048xf32, #tpu.memory_space<vmem>>
    %dma_wait3A_230 = tpu.memref_squeeze %dma_wait3A_229 : memref<1x2048xf32, #tpu.memory_space<vmem>> -> memref<2048xf32, #tpu.memory_space<vmem>>
    tpu.wait_dma2 semaphore(%arg21 : memref<!tpu.dma_semaphore, #tpu.memory_space<semaphore_mem>>) src(%dma_wait3A_230 : memref<2048xf32, #tpu.memory_space<vmem>>) dst(%dma_wait3A_227 : memref<2048xf32, #tpu.memory_space<hbm>>)
    %dma_wait3A_231 = arith.constant 0 : i32
    %dma_wait3A_232 = arith.constant 0 : i32
    %dma_wait3A_233 = arith.constant 0 : i32
    %dma_wait3A_234 = arith.constant 0 : i32
    %dma_wait3A_235 = tpu.memref_slice %arg5[%dma_wait3A_231, %dma_wait3A_234] : memref<38x2048xf32, #tpu.memory_space<vmem>> -> memref<1x2048xf32, #tpu.memory_space<vmem>>
    %dma_wait3A_236 = tpu.memref_squeeze %dma_wait3A_235 : memref<1x2048xf32, #tpu.memory_space<vmem>> -> memref<2048xf32, #tpu.memory_space<vmem>>
    %dma_wait3A_237 = arith.constant 0 : i32
    %dma_wait3A_238 = tpu.memref_slice %arg4[%dma_wait3A_232, %dma_wait3A_233, %dma_wait3A_237] : memref<1024x20x2048xf32, #tpu.memory_space<hbm>> -> memref<1x1x2048xf32, #tpu.memory_space<hbm>>
    %dma_wait3A_239 = tpu.memref_squeeze %dma_wait3A_238 : memref<1x1x2048xf32, #tpu.memory_space<hbm>> -> memref<2048xf32, #tpu.memory_space<hbm>>
    %dma_wait3A_240 = arith.constant 0 : i32
    %dma_wait3A_241 = tpu.memref_slice %arg4[%dma_wait3A_232, %dma_wait3A_233, %dma_wait3A_240] : memref<1024x20x2048xf32, #tpu.memory_space<hbm>> -> memref<1x1x2048xf32, #tpu.memory_space<hbm>>
    %dma_wait3A_242 = tpu.memref_squeeze %dma_wait3A_241 : memref<1x1x2048xf32, #tpu.memory_space<hbm>> -> memref<2048xf32, #tpu.memory_space<hbm>>
    %dma_wait3A_243 = arith.constant 0 : i32
    %dma_wait3A_244 = tpu.memref_slice %arg5[%dma_wait3A_231, %dma_wait3A_243] : memref<38x2048xf32, #tpu.memory_space<vmem>> -> memref<1x2048xf32, #tpu.memory_space<vmem>>
    %dma_wait3A_245 = tpu.memref_squeeze %dma_wait3A_244 : memref<1x2048xf32, #tpu.memory_space<vmem>> -> memref<2048xf32, #tpu.memory_space<vmem>>
    tpu.wait_dma2 semaphore(%arg22 : memref<!tpu.dma_semaphore, #tpu.memory_space<semaphore_mem>>) src(%dma_wait3A_245 : memref<2048xf32, #tpu.memory_space<vmem>>) dst(%dma_wait3A_242 : memref<2048xf32, #tpu.memory_space<hbm>>)
    return
  }
}

</mosaic_0001>

<sc_bundles>
// kernel: kernel.3.cloned.1.call-start
scs
__scs_entry_jumppad:
0x0: {  	(pc) =	sbr.rel $0x88, $3  }
0x1: {  	(tag) =	ssettag $0x0;
	lr =	simm.s32 $0x1  }
0x2: {  	[smem:$0x3F9F] =	sst lr;
	_ =	strace $0xD0000000  }
0x3: {  	_ = 	snop  }
0x4: {  	_ = 	snop  }
0x5: {  	_ = 	snop  }
0x6: {  	_ = 	snop  }
0x7: {  	_ = 	snop  }
__scs_overlays_trampoline_lowered:
0x8: {  	[smem:$0x3FAE] =	sst s0  }
0x9: {  	[smem:$0x3FAF] =	sst s1  }
0xa: {  	[smem:$0x3FB0] =	sst s2  }
0xb: {  	[smem:$0x3FB1] =	sst s3  }
0xc: {  	[smem:$0x3FB2] =	sst s4  }
0xd: {  	[smem:$0x3FB3] =	sst s5  }
0xe: {  	[smem:$0x3FB4] =	sst s6  }
0xf: {  	[smem:$0x3FB5] =	sst s7  }
0x10: {  	[smem:$0x3FB6] =	sst s8  }
0x11: {  	[smem:$0x3FB7] =	sst s9;
	s0 =	simm.s32 @!p0 $0x0  }
0x12: {  	s1 =	sld [smem:$0x3F9D];
	s0 =	simm.s32 @p0 $0x1  }
0x13: {  	[smem:$0x3FB8] =	sst s0;
	s0 =	simm.s32 @!p1 $0x0  }
0x14: {  	s2 =	sld [smem:$0x3F9C];
	s0 =	simm.s32 @p1 $0x1  }
0x15: {  	[smem:$0x3FB9] =	sst s0;
	s0 =	simm.s32 @!p2 $0x0  }
0x16: {  	s3 =	sld [smem:$0x3FDB];
	s0 =	simm.s32 @p2 $0x1  }
0x17: {  	s4 =	simm.s32 $0x1BF5;
	[smem:$0x3FBB] =	sst s0  }
0x18: {  	s0 =	sld [smem:$0x3F9E];
	_ =	swait.ge [sflag:s4], $0x0  }
0x19: {  	s7 =	sld [smem:$0x3F9F]  }
0x1a: {  	s8 =	sadd.s32 $0xFFFFE003, lr  }
0x1b: {  	s9 =	sadd.s32 $0xFFFFFEF7, lr;
	s5 =	simm.s32 $0xFFFFFFFF;
	p2 =	slt.u32 s8, $0xFFFFF086  }
0x1c: {  	p1 =	slt.u32 s9, $0xF7A;
	s5 =	simm.s32 @!p2 $0x0  }
0x1d: {  	s5 =	simm.s32 @p1 $0x1;
	p0 =	seq.s32 s7, s2  }
0x1e: {  	s7 =	smul.u32 @!p0 $0xF7A, s2;
	p2 =	seq.s32 @!p0 s5, $0x0  }
0x1f: {  	s9 =	smul.u32 $0xF7A, s1;
	s8 =	simm.s32 @!p0 $0x1BF5;
	p2 =	por !p2, p0  }
0x20: {  	[sflag:s8] =	ssyncset.s32 @!p0 $0xFFFFF086;
	s6 =	sadd.s32 @!p0 s3, s7;
	s7 =	simm.s32 @!p0 $0x108  }
0x21: {  	s3 =	sadd.s32 s3, s9;
	s6 =	sadd.s32 @!p0 $0x88, s6;
	s7 =	simm.s32 @p2 $0x1082  }
0x22: {  	[simem:s7], [sflag:s8] =	dma.local @!p0 [hbm:s6], $0xF7A  }
0x23: {  	s9 =	sor.u32 $0xD0000000, s2;
	s6 =	simm.s32 $0x108;
	_ =	swait.ge @!p0 [sflag:s8], $0x0  }
0x24: {  	s3 =	sadd.s32 $0x88, s3;
	s6 =	simm.s32 @!p1 $0x1082;
	[sflag:s4] =	ssyncset.s32 $0xFFFFF086  }
0x25: {  	[simem:s6], [sflag:s4] =	dma.local [hbm:s3], $0xF7A  }
0x26: {  	[smem:$0x3F9F] =	sst s1;
	(tag) =	ssettag s2;
	_ =	strace s9  }
0x27: {  	s1 =	sld [smem:$0x3FAF]  }
0x28: {  	s2 =	sld [smem:$0x3FB0]  }
0x29: {  	s4 =	sld [smem:$0x3FB2]  }
0x2a: {  	p0 =	seq.s32 s5, $0x0;
	s5 =	sld [smem:$0x3FB3]  }
0x2b: {  	s6 =	sld [smem:$0x3FB4]  }
0x2c: {  	s7 =	sld [smem:$0x3FB5]  }
0x2d: {  	s3 =	simm.s32 $0x108;
	s8 =	sld [smem:$0x3FB6]  }
0x2e: {  	s3 =	simm.s32 @!p0 $0x1082;
	s9 =	sld [smem:$0x3FB7]  }
0x2f: {  	lr =	sadd.s32 s0, s3;
	s0 =	sld [smem:$0x3FAE]  }
0x30: {  	s3 =	sld [smem:$0x3FB1]  }
0x31: {  	[smem:$0x3FBA] =	sst s10  }
0x32: {  	s10 =	sld [smem:$0x3FB8];
	_ =	sdelay $0x3  }
0x33: {  	p0 =	seq.s32 s10, $0x1;
	s10 =	sld [smem:$0x3FBA];
	_ =	sdelay $0x3  }
0x34: {  	[smem:$0x3FBA] =	sst s10  }
0x35: {  	s10 =	sld [smem:$0x3FB9];
	_ =	sdelay $0x3  }
0x36: {  	p1 =	seq.s32 s10, $0x1;
	s10 =	sld [smem:$0x3FBA];
	_ =	sdelay $0x3  }
0x37: {  	[smem:$0x3FBA] =	sst s10  }
0x38: {  	s10 =	sld [smem:$0x3FBB]  }
0x39: {  	_ = 	snop;
	(pc) =	sbr.ind lr, $3  }
0x3a: {  	_ = 	snop  }
0x3b: {  	_ = 	snop  }
0x3c: {  	p2 =	seq.s32 s10, $0x1;
	s10 =	sld [smem:$0x3FBA]  }
0x3d: {  	_ =	shalt  }
0x3e: {  	_ =	shalt  }
0x3f: {  	_ =	shalt  }
0x40: {  	_ =	shalt  }
0x41: {  	_ =	shalt  }
0x42: {  	_ =	shalt  }
0x43: {  	_ =	shalt  }
0x44: {  	_ =	shalt  }
0x45: {  	_ =	shalt  }
0x46: {  	_ =	shalt  }
0x47: {  	_ =	shalt  }
0x48: {  	_ =	shalt  }
0x49: {  	_ =	shalt  }
0x4a: {  	_ =	shalt  }
0x4b: {  	_ =	shalt  }
0x4c: {  	_ =	shalt  }
0x4d: {  	_ =	shalt  }
0x4e: {  	_ =	shalt  }
0x4f: {  	_ =	shalt  }
0x50: {  	_ =	shalt  }
0x51: {  	_ =	shalt  }
0x52: {  	_ =	shalt  }
0x53: {  	_ =	shalt  }
0x54: {  	_ =	shalt  }
0x55: {  	_ =	shalt  }
0x56: {  	_ =	shalt  }
0x57: {  	_ =	shalt  }
0x58: {  	_ =	shalt  }
0x59: {  	_ =	shalt  }
0x5a: {  	_ =	shalt  }
0x5b: {  	_ =	shalt  }
0x5c: {  	_ =	shalt  }
0x5d: {  	_ =	shalt  }
0x5e: {  	_ =	shalt  }
0x5f: {  	_ =	shalt  }
0x60: {  	_ =	shalt  }
0x61: {  	_ =	shalt  }
0x62: {  	_ =	shalt  }
0x63: {  	_ =	shalt  }
0x64: {  	_ =	shalt  }
0x65: {  	_ =	shalt  }
0x66: {  	_ =	shalt  }
0x67: {  	_ =	shalt  }
0x68: {  	_ =	shalt  }
0x69: {  	_ =	shalt  }
0x6a: {  	_ =	shalt  }
0x6b: {  	_ =	shalt  }
0x6c: {  	_ =	shalt  }
0x6d: {  	_ =	shalt  }
0x6e: {  	_ =	shalt  }
0x6f: {  	_ =	shalt  }
0x70: {  	_ =	shalt  }
0x71: {  	_ =	shalt  }
0x72: {  	_ =	shalt  }
0x73: {  	_ =	shalt  }
0x74: {  	_ =	shalt  }
0x75: {  	_ =	shalt  }
0x76: {  	_ =	shalt  }
0x77: {  	_ =	shalt  }
0x78: {  	_ =	shalt  }
0x79: {  	_ =	shalt  }
0x7a: {  	_ =	shalt  }
0x7b: {  	_ =	shalt  }
0x7c: {  	_ =	shalt  }
0x7d: {  	_ =	shalt  }
0x7e: {  	_ =	shalt  }
0x7f: {  	_ =	shalt  }
0x80: {  	_ =	shalt  }
0x81: {  	_ =	shalt  }
0x82: {  	_ =	shalt  }
0x83: {  	_ =	shalt  }
0x84: {  	_ =	shalt  }
0x85: {  	_ =	shalt  }
0x86: {  	_ =	shalt  }
0x87: {  	_ =	shalt  }
.Lfunc_end0:
.L_simem_size_0:
called_computation_lowered:
.L_overlay_start_0:
0x88: {  	s2 =	sld [smem:$0x3FD9]  }
0x89: {  	s3 =	sld [smem:$0x3FFE];
	_ =	sdelay $0x1  }
0x8a: {  	s1 =	srdreg.scid  }
0x8b: {  	s0 =	sand.u32 $0x1, s1  }
0x8c: {  	s17 =	sshll.u32 s0, $0xA;
	s2 =	sadd.s32 s3, s2  }
0x8d: {  	s2 =	sadd.s32 s2, s17  }
0x8e: {  	[smem:$0x3FC6] =	sst s2  }
0x8f: {  	_ = 	snop  }
0x90: {  	s2 =	sld [smem:$0x3FC8]  }
0x91: {  	s18 =	sld [smem:$0x3FD0];
	(tm) =	ssettm $0x1  }
0x92: {  	s4 =	sld [smem:$0x3FFB];
	_ =	sdelay $0x3  }
0x93: {  	_ =	strace s4  }
0x94: {  	s4 =	sld [smem:$0x3FFC];
	_ =	sdelay $0x3  }
0x95: {  	_ =	strace s4  }
0x96: {  	s4 =	sld [smem:$0x3FFD];
	_ =	sdelay $0x3  }
0x97: {  	_ =	strace s4  }
0x98: {  	_ =	strace $0x8FFFFFFF  }
0x99: {  	s19 =	sld [smem:$0x3FDB];
	_ =	sdelay $0x1  }
0x9a: {  	s5 =	simm.s32 $_scs_section_size  }
0x9b: {  	s6 =	simm.s32 $_size__tile_overlayer_lowered;
	s7 =	simm.s32 $_tile_overlayer_lowered  }
0x9c: {  	s22 =	simm.s32 $0x1BFF;
	s21 =	sshll.u32 s7, $0x1;
	s4 =	sadd.s32 s5, s19  }
0x9d: {  	s8 =	simm.s32 $0x0;
	s20 =	sshll.u32 s6, $0x1;
	s6 =	sadd.s32 s21, s4  }
0x9e: {  	[timem:s8], [sflag:s22] =	dma.local [hbm:s6], s20  }
0x9f: {  	_ =	swait.ge [sflag:s22], s20  }
0xa0: {  	s5 =	ssub.s32 $0x0, s20;
	[sflag:s22] =	ssyncset.done $0x0  }
0xa1: {  	[sflag:s22] =	ssyncadd.s32 s5;
	_ =	sdelay $0x1  }
0xa2: {  	s23 =	simm.s32 $0x1B8B  }
0xa3: {  	_ =	swait.ge [sflag:s23], $0x1  }
0xa4: {  	[sflag:s23] =	ssyncset.done $0x0  }
0xa5: {  	s25 =	simm.s32 $0x1B8E;
	s24 =	sld [smem:$0x3FFE];
	[sflag:s23] =	ssyncadd.s32 $0xFFFFFFFF  }
0xa6: {  	s26 =	simm.s32 $execute0_lowered;
	[smem:$0x3FD2] =	sst s25  }
0xa7: {  	s6 =	sshll.u32 s26, $0x1;
	_ =	strace $0x80000046;
	[dreg:$0x1] =	wrdreg $0xFFFFFFFF  }
0xa8: {  	s28 =	simm.s32 $_size_execute0_lowered;
	s4 =	sadd.s32 s4, s6;
	[dreg:$0x0] =	wrdreg $0x0  }
0xa9: {  	s6 =	sshll.u32 s28, $0x1;
	[dreg:$0x2] =	wrdreg s4  }
0xaa: {  	[dreg:$0x3] =	wrdreg s6  }
0xab: {  	[dreg:$0x4] =	wrdreg $0xC0  }
0xac: {  	_ =	task [dreg:s8], $0x5FFFF  }
0xad: {  	[dreg:$0x1] =	wrdreg $0xFFFFFFFF  }
0xae: {  	[dreg:$0x0] =	wrdreg $0x60  }
0xaf: {  	[dreg:$0x2] =	wrdreg s2  }
0xb0: {  	[dreg:$0x3] =	wrdreg s18  }
0xb1: {  	[dreg:$0x4] =	wrdreg s24  }
0xb2: {  	[dreg:$0x5] =	wrdreg $0x9  }
0xb3: {  	_ =	task.clear_ibuf [dreg:s8], $0x6FFFF;
	_ =	strace $0x90000046  }
0xb4: {  	s29 =	simm.s32 $0x9;
	_ =	strace $0x80000048  }
0xb5: {  	_ =	swait.ge [sflag:s29], $0x1  }
0xb6: {  	[sflag:s29] =	ssyncadd.s32 $0xFFFFFFFF  }
0xb7: {  	_ =	strace $0x90000048  }
0xb8: {  	_ =	sfence  }
0xb9: {  	s30 =	sld [smem:$0x0];
	_ =	sdelay $0x2  }
0xba: {  	s31 =	sshll.u32 s1, $0xD;
	s1 =	sshrl.u32 s1, $0x2  }
0xbb: {  	s3 =	sand.u32 $0x4000, s31;
	s1 =	sadd.s32 s1, s30  }
0xbc: {  	s0 =	sor.u32 s3, s0;
	s1 =	sshll.u32 s1, $0x11  }
0xbd: {  	s0 =	sor.u32 s1, s0  }
0xbe: {  	s0 =	sadd.s32 $0x8F2B, s0  }
0xbf: {  	[sflag:s0] =	ssyncadd.remote.s32 $0x1  }
0xc0: {  	_ =	sfence.sel $0xFFFF  }
0xc1: {  	[dreg:$0x0] =	wrdreg $0xFFFFFFFF;
	(pc) =	sbr.abs _section_cstart, $3  }
0xc2: {  	[dreg:$0x1] =	wrdreg $0xFFFFFFFF  }
0xc3: {  	_ =	task.clear_ibuf [dreg:s8], $0x2FFFF;
	_ =	strace $0x9FFFFFFF  }
0xc4: {  	(tm) =	ssettm $0x7FFFFFFF  }
0xc5: {  	_ =	shalt  }
tec
execute0_lowered:
.L_overlay_start_1:
0x0: {  	(tag) =	ssettag $0x1  }
0x1: {  	s0 =	srdreg.scid;
	s1 =	rddreg [dreg:$0x1]  }
0x2: {  	s9 =	stileid.u32;
	s4 =	rddreg [dreg:$0x2];
	s3 =	simm.s32 $0x0  }
0x3: {  	s13 =	simm.s32 $0x4;
	s14 =	simm.s32 $0x5;
	s15 =	simm.s32 $0x6  }
0x4: {  	s16 =	simm.s32 $0x7;
	s17 =	simm.s32 $0x8;
	s18 =	simm.s32 $0x9  }
0x5: {  	s19 =	simm.s32 $0xA;
	s20 =	simm.s32 $0xB;
	s21 =	simm.s32 $0xC  }
0x6: {  	s22 =	simm.s32 $0xD;
	s23 =	simm.s32 $0xE;
	s5 =	smul.u32 $0x500, s9  }
0x7: {  	s0 =	sand.u32 $0x1, s0;
	s2 =	sshll.u32 s9, $0x1;
	s9 =	smul.u32 $0x280000, s9  }
0x8: {  	s24 =	simm.s32 $0xF;
	[smem:$0x7FF] =	sst s3;
	s7 =	smul.u32 $0x280, s0  }
0x9: {  	s2 =	sor.u32 s0, s2;
	s6 =	ssub.s32 $0x2, s0;
	s0 =	smul.u32 $0x140000, s0  }
0xa: {  	s25 =	simm.s32 $0x10;
	_ =	strace $0x80000047;
	s8 =	sshrl.u32 s6, $0x1  }
0xb: {  	s2 =	smul.u32 $0x280, s2;
	s6 =	ssub.s32 s6, s8;
	s0 =	sadd.s32 s0, s9  }
0xc: {  	s5 =	sadd.s32 s7, s5;
	s31 =	smax.u32 s6, $0x1;
	[dreg:$0x7] =	wrdreg s0  }
0xd: {  	s2 =	sshrl.u32 s2, $0x3;
	s30 =	sor.u32 $0x4, s5;
	[dreg:$0x6] =	wrdreg s31  }
0xe: {  	s26 =	simm.s32 $0x0;
	s1 =	sadd.s32 s1, s2;
	[dreg:$0x4] =	wrdreg s30  }
0xf: {  	s4 =	sadd.s32 $0x400, s4;
	s9 =	simm.s32 $0x11;
	[dreg:$0x5] =	wrdreg s1  }
.LBB2_1:
0x10: {  	s28 =	simm.s32 $0x14000;
	s0 =	rddreg [dreg:$0x5]  }
0x11: {  	[tilespmem:s28], [sflag:$0x11] =	stream.linear.gather [hbm4b:s0+s3], $0x280, $0x38;
	[tilespmem:$0x14280] =	vst v63  }
0x12: {  	_ =	swait.ge [sflag:s9], $0x280  }
0x13: {  	[sflag:s9] =	ssyncset.done $0x0  }
0x14: {  	[sflag:s9] =	ssyncadd.s32 $0xFFFFFD80  }
0x15: {  	s12 =	rddreg [dreg:$0x0]  }
0x16: {  	[tilespmem:s3], [sflag:$0x11] =	stream.linear.gather [hbm4b:s12+s3], $0x14000, $0x38;
	[tilespmem:$0x14280] =	vst v63  }
0x17: {  	_ =	swait.ge [sflag:s9], $0x14000  }
0x18: {  	s30 =	smov.u32 s5;
	[sflag:s9] =	ssyncset.done $0x0  }
0x19: {  	s31 =	simm.s32 $0x0;
	s29 =	rddreg [dreg:$0x7];
	[sflag:s9] =	ssyncadd.s32 $0xFFFEC000  }
.LBB2_2:
0x1a: {  	p0 =	seq.s32 s31, $0x0  }
0x1b: {  	s0 =	simm.s32 @!p0 $0x1  }
0x1c: {  	s2 =	rddreg [dreg:$0x4];
	_ =	swait.ge @!p0 [sflag:s0], $0x800  }
0x1d: {  	[sflag:s0] =	ssyncset.done @!p0 $0x0  }
0x1e: {  	[sflag:s0] =	ssyncadd.s32 @!p0 $0xFFFFF800;
	s0 =	simm.s32 @!p0 $0x2  }
0x1f: {  	_ =	swait.ge @!p0 [sflag:s0], $0x800  }
0x20: {  	[sflag:s0] =	ssyncset.done @!p0 $0x0  }
0x21: {  	[sflag:s0] =	ssyncadd.s32 @!p0 $0xFFFFF800;
	s0 =	simm.s32 @!p0 $0x3  }
0x22: {  	_ =	swait.ge @!p0 [sflag:s0], $0x800  }
0x23: {  	[sflag:s0] =	ssyncset.done @!p0 $0x0  }
0x24: {  	[sflag:s0] =	ssyncadd.s32 @!p0 $0xFFFFF800;
	s0 =	simm.s32 @!p0 $0x4  }
0x25: {  	_ =	swait.ge @!p0 [sflag:s0], $0x800  }
0x26: {  	[sflag:s0] =	ssyncset.done @!p0 $0x0  }
0x27: {  	[sflag:s0] =	ssyncadd.s32 @!p0 $0xFFFFF800;
	s0 =	simm.s32 @!p0 $0x5  }
0x28: {  	_ =	swait.ge @!p0 [sflag:s0], $0x800  }
0x29: {  	[sflag:s0] =	ssyncset.done @!p0 $0x0  }
0x2a: {  	[sflag:s0] =	ssyncadd.s32 @!p0 $0xFFFFF800;
	s0 =	simm.s32 @!p0 $0x6  }
0x2b: {  	_ =	swait.ge @!p0 [sflag:s0], $0x800  }
0x2c: {  	[sflag:s0] =	ssyncset.done @!p0 $0x0  }
0x2d: {  	[sflag:s0] =	ssyncadd.s32 @!p0 $0xFFFFF800;
	s0 =	simm.s32 @!p0 $0x7  }
0x2e: {  	_ =	swait.ge @!p0 [sflag:s0], $0x800  }
0x2f: {  	[sflag:s0] =	ssyncset.done @!p0 $0x0  }
0x30: {  	[sflag:s0] =	ssyncadd.s32 @!p0 $0xFFFFF800;
	s0 =	simm.s32 @!p0 $0x8  }
0x31: {  	_ =	swait.ge @!p0 [sflag:s0], $0x800  }
0x32: {  	[sflag:s0] =	ssyncset.done @!p0 $0x0  }
0x33: {  	[sflag:s0] =	ssyncadd.s32 @!p0 $0xFFFFF800;
	s0 =	simm.s32 @!p0 $0x9  }
0x34: {  	_ =	swait.ge @!p0 [sflag:s0], $0x800  }
0x35: {  	[sflag:s0] =	ssyncset.done @!p0 $0x0  }
0x36: {  	[sflag:s0] =	ssyncadd.s32 @!p0 $0xFFFFF800;
	s0 =	simm.s32 @!p0 $0xA  }
0x37: {  	_ =	swait.ge @!p0 [sflag:s0], $0x800  }
0x38: {  	[sflag:s0] =	ssyncset.done @!p0 $0x0  }
0x39: {  	[sflag:s0] =	ssyncadd.s32 @!p0 $0xFFFFF800;
	s0 =	simm.s32 @!p0 $0xB  }
0x3a: {  	_ =	swait.ge @!p0 [sflag:s0], $0x800  }
0x3b: {  	[sflag:s0] =	ssyncset.done @!p0 $0x0  }
0x3c: {  	[sflag:s0] =	ssyncadd.s32 @!p0 $0xFFFFF800;
	s0 =	simm.s32 @!p0 $0xC  }
0x3d: {  	_ =	swait.ge @!p0 [sflag:s0], $0x800  }
0x3e: {  	[sflag:s0] =	ssyncset.done @!p0 $0x0  }
0x3f: {  	[sflag:s0] =	ssyncadd.s32 @!p0 $0xFFFFF800;
	s0 =	simm.s32 @!p0 $0xD  }
0x40: {  	_ =	swait.ge @!p0 [sflag:s0], $0x800  }
0x41: {  	[sflag:s0] =	ssyncset.done @!p0 $0x0  }
0x42: {  	[sflag:s0] =	ssyncadd.s32 @!p0 $0xFFFFF800;
	s0 =	simm.s32 @!p0 $0xE  }
0x43: {  	_ =	swait.ge @!p0 [sflag:s0], $0x800  }
0x44: {  	[sflag:s0] =	ssyncset.done @!p0 $0x0  }
0x45: {  	[sflag:s0] =	ssyncadd.s32 @!p0 $0xFFFFF800;
	s0 =	simm.s32 @!p0 $0xF  }
0x46: {  	_ =	swait.ge @!p0 [sflag:s0], $0x800  }
0x47: {  	[sflag:s0] =	ssyncset.done @!p0 $0x0  }
0x48: {  	[sflag:s0] =	ssyncadd.s32 @!p0 $0xFFFFF800;
	s0 =	simm.s32 @!p0 $0x10  }
0x49: {  	_ =	swait.ge @!p0 [sflag:s0], $0x800  }
0x4a: {  	[sflag:s0] =	ssyncset.done @!p0 $0x0  }
0x4b: {  	[sflag:s0] =	ssyncadd.s32 @!p0 $0xFFFFF800  }
0x4c: {  	v0 =	vld [tilespmem:s28+$0x0];
	_ =	sdelay $0x4  }
0x4d: {  	(v2sf) =	vpush v0, $0x0;
	_ =	sdelay $0x7  }
0x4e: {  	s1 =	smulhi.u32 $0xCCCCCCCD, s30  }
0x4f: {  	s0 =	sadd.s32 s31, s5  }
0x50: {  	s6 =	sshrl.u32 s1, $0x4;
	s7 =	smulhi.u32 $0xCCCCCCCD, s0  }
0x51: {  	s8 =	smul.u32 $0xA000, s6  }
0x52: {  	s1 =	sshrl.u32 s7, $0x4  }
0x53: {  	s8 =	ssub.s32 s29, s8;
	s10 =	smul.u32 $0xC000, s1  }
0x54: {  	s8 =	sand.u32 $0xFFFFC000, s8;
	s7 =	sshll.u32 s7, $0x5  }
0x55: {  	s7 =	sand.u32 $0x200, s7;
	s8 =	sadd.s32 s10, s8;
	s11 =	spop (v2sf)  }
0x56: {  	s7 =	sor.u32 s7, s8;
	s12 =	sshll.u32 s11, $0xB;
	s10 =	sshll.u32 s11, $0x7  }
0x57: {  	s7 =	sshrl.u32 s7, $0x3;
	s8 =	sand.u32 $0xFFFFC000, s12;
	s10 =	sand.u32 $0x380, s10  }
0x58: {  	s7 =	sadd.s32 s4, s7;
	s8 =	sor.u32 s10, s8  }
0x59: {  	[hbm4b:s7+s3] =	stream.linear.scatter [tilespmem:s8], [sflag:$0x1], $0x80, $0x38;
	[tilespmem:$0x14280] =	vst v63  }
0x5a: {  	s11 =	sadd.s32 $0x80, s7;
	s10 =	sor.u32 $0x400, s8  }
0x5b: {  	[hbm4b:s11+s3] =	stream.linear.scatter [tilespmem:s10], [sflag:$0x1], $0x80, $0x38;
	[tilespmem:$0x14280] =	vst v63  }
0x5c: {  	s12 =	sadd.s32 $0x100, s7;
	s11 =	sor.u32 $0x800, s8  }
0x5d: {  	[hbm4b:s12+s3] =	stream.linear.scatter [tilespmem:s11], [sflag:$0x1], $0x80, $0x38;
	[tilespmem:$0x14280] =	vst v63  }
0x5e: {  	s11 =	sor.u32 $0xC00, s8;
	s12 =	sadd.s32 $0x180, s7  }
0x5f: {  	[hbm4b:s12+s3] =	stream.linear.scatter [tilespmem:s11], [sflag:$0x1], $0x80, $0x38;
	[tilespmem:$0x14280] =	vst v63  }
0x60: {  	s11 =	sor.u32 $0x1000, s8;
	s12 =	sadd.s32 $0x200, s7  }
0x61: {  	[hbm4b:s12+s3] =	stream.linear.scatter [tilespmem:s11], [sflag:$0x1], $0x80, $0x38;
	[tilespmem:$0x14280] =	vst v63  }
0x62: {  	s11 =	sor.u32 $0x1400, s8;
	s12 =	sadd.s32 $0x280, s7  }
0x63: {  	[hbm4b:s12+s3] =	stream.linear.scatter [tilespmem:s11], [sflag:$0x1], $0x80, $0x38;
	[tilespmem:$0x14280] =	vst v63  }
0x64: {  	s11 =	sor.u32 $0x1800, s8;
	s12 =	sadd.s32 $0x300, s7  }
0x65: {  	[hbm4b:s12+s3] =	stream.linear.scatter [tilespmem:s11], [sflag:$0x1], $0x80, $0x38;
	[tilespmem:$0x14280] =	vst v63  }
0x66: {  	s11 =	sor.u32 $0x1C00, s8;
	s12 =	sadd.s32 $0x380, s7  }
0x67: {  	(v2sf) =	vpush v0, $0x1;
	[hbm4b:s12+s3] =	stream.linear.scatter [tilespmem:s11], [sflag:$0x1], $0x80, $0x38;
	[tilespmem:$0x14280] =	vst v63  }
0x68: {  	s11 =	sor.u32 $0x2000, s8;
	s12 =	sadd.s32 $0x400, s7  }
0x69: {  	[hbm4b:s12+s3] =	stream.linear.scatter [tilespmem:s11], [sflag:$0x1], $0x80, $0x38;
	[tilespmem:$0x14280] =	vst v63  }
0x6a: {  	s11 =	sor.u32 $0x2400, s8;
	s12 =	sadd.s32 $0x480, s7  }
0x6b: {  	[hbm4b:s12+s3] =	stream.linear.scatter [tilespmem:s11], [sflag:$0x1], $0x80, $0x38;
	[tilespmem:$0x14280] =	vst v63  }
0x6c: {  	s11 =	sor.u32 $0x2800, s8;
	s12 =	sadd.s32 $0x500, s7  }
0x6d: {  	[hbm4b:s12+s3] =	stream.linear.scatter [tilespmem:s11], [sflag:$0x1], $0x80, $0x38;
	[tilespmem:$0x14280] =	vst v63  }
0x6e: {  	s11 =	sor.u32 $0x2C00, s8;
	s12 =	sadd.s32 $0x580, s7  }
0x6f: {  	[hbm4b:s12+s3] =	stream.linear.scatter [tilespmem:s11], [sflag:$0x1], $0x80, $0x38;
	[tilespmem:$0x14280] =	vst v63  }
0x70: {  	s11 =	sor.u32 $0x3000, s8;
	s12 =	sadd.s32 $0x600, s7  }
0x71: {  	[hbm4b:s12+s3] =	stream.linear.scatter [tilespmem:s11], [sflag:$0x1], $0x80, $0x38;
	[tilespmem:$0x14280] =	vst v63  }
0x72: {  	s11 =	sor.u32 $0x3400, s8;
	s12 =	sadd.s32 $0x680, s7  }
0x73: {  	[hbm4b:s12+s3] =	stream.linear.scatter [tilespmem:s11], [sflag:$0x1], $0x80, $0x38;
	[tilespmem:$0x14280] =	vst v63  }
0x74: {  	s11 =	sor.u32 $0x3800, s8;
	s12 =	sadd.s32 $0x700, s7  }
0x75: {  	[hbm4b:s12+s3] =	stream.linear.scatter [tilespmem:s11], [sflag:$0x1], $0x80, $0x38;
	[tilespmem:$0x14280] =	vst v63  }
0x76: {  	s10 =	spop (v2sf);
	s8 =	sor.u32 $0x3C00, s8;
	s12 =	sadd.s32 $0x780, s7  }
0x77: {  	[hbm4b:s12+s3] =	stream.linear.scatter [tilespmem:s8], [sflag:$0x1], $0x80, $0x38;
	[tilespmem:$0x14280] =	vst v63  }
0x78: {  	s11 =	sshll.u32 s10, $0xB;
	s8 =	sshll.u32 s10, $0x7  }
0x79: {  	s10 =	sand.u32 $0xFFFFC000, s11;
	s8 =	sand.u32 $0x380, s8  }
0x7a: {  	s12 =	sadd.s32 $0x10, s7;
	s8 =	sor.u32 s8, s10  }
0x7b: {  	[hbm4b:s12+s3] =	stream.linear.scatter [tilespmem:s8], [sflag:$0x2], $0x80, $0x38;
	[tilespmem:$0x14280] =	vst v63  }
0x7c: {  	s10 =	sor.u32 $0x400, s8;
	s12 =	sadd.s32 $0x90, s7  }
0x7d: {  	[hbm4b:s12+s3] =	stream.linear.scatter [tilespmem:s10], [sflag:$0x2], $0x80, $0x38;
	[tilespmem:$0x14280] =	vst v63  }
0x7e: {  	s11 =	sor.u32 $0x800, s8;
	s12 =	sadd.s32 $0x110, s7  }
0x7f: {  	[hbm4b:s12+s3] =	stream.linear.scatter [tilespmem:s11], [sflag:$0x2], $0x80, $0x38;
	[tilespmem:$0x14280] =	vst v63  }
0x80: {  	s11 =	sor.u32 $0xC00, s8;
	s12 =	sadd.s32 $0x190, s7  }
0x81: {  	[hbm4b:s12+s3] =	stream.linear.scatter [tilespmem:s11], [sflag:$0x2], $0x80, $0x38;
	[tilespmem:$0x14280] =	vst v63  }
0x82: {  	s11 =	sor.u32 $0x1000, s8;
	s12 =	sadd.s32 $0x210, s7  }
0x83: {  	[hbm4b:s12+s3] =	stream.linear.scatter [tilespmem:s11], [sflag:$0x2], $0x80, $0x38;
	[tilespmem:$0x14280] =	vst v63  }
0x84: {  	s11 =	sor.u32 $0x1400, s8;
	s12 =	sadd.s32 $0x290, s7  }
0x85: {  	[hbm4b:s12+s3] =	stream.linear.scatter [tilespmem:s11], [sflag:$0x2], $0x80, $0x38;
	[tilespmem:$0x14280] =	vst v63  }
0x86: {  	s11 =	sor.u32 $0x1800, s8;
	s12 =	sadd.s32 $0x310, s7  }
0x87: {  	[hbm4b:s12+s3] =	stream.linear.scatter [tilespmem:s11], [sflag:$0x2], $0x80, $0x38;
	[tilespmem:$0x14280] =	vst v63  }
0x88: {  	s11 =	sor.u32 $0x1C00, s8;
	s12 =	sadd.s32 $0x390, s7  }
0x89: {  	(v2sf) =	vpush v0, $0x2;
	[hbm4b:s12+s3] =	stream.linear.scatter [tilespmem:s11], [sflag:$0x2], $0x80, $0x38;
	[tilespmem:$0x14280] =	vst v63  }
0x8a: {  	s11 =	sor.u32 $0x2000, s8;
	s12 =	sadd.s32 $0x410, s7  }
0x8b: {  	[hbm4b:s12+s3] =	stream.linear.scatter [tilespmem:s11], [sflag:$0x2], $0x80, $0x38;
	[tilespmem:$0x14280] =	vst v63  }
0x8c: {  	s11 =	sor.u32 $0x2400, s8;
	s12 =	sadd.s32 $0x490, s7  }
0x8d: {  	[hbm4b:s12+s3] =	stream.linear.scatter [tilespmem:s11], [sflag:$0x2], $0x80, $0x38;
	[tilespmem:$0x14280] =	vst v63  }
0x8e: {  	s11 =	sor.u32 $0x2800, s8;
	s12 =	sadd.s32 $0x510, s7  }
0x8f: {  	[hbm4b:s12+s3] =	stream.linear.scatter [tilespmem:s11], [sflag:$0x2], $0x80, $0x38;
	[tilespmem:$0x14280] =	vst v63  }
0x90: {  	s11 =	sor.u32 $0x2C00, s8;
	s12 =	sadd.s32 $0x590, s7  }
0x91: {  	[hbm4b:s12+s3] =	stream.linear.scatter [tilespmem:s11], [sflag:$0x2], $0x80, $0x38;
	[tilespmem:$0x14280] =	vst v63  }
0x92: {  	s11 =	sor.u32 $0x3000, s8;
	s12 =	sadd.s32 $0x610, s7  }
0x93: {  	[hbm4b:s12+s3] =	stream.linear.scatter [tilespmem:s11], [sflag:$0x2], $0x80, $0x38;
	[tilespmem:$0x14280] =	vst v63  }
0x94: {  	s11 =	sor.u32 $0x3400, s8;
	s12 =	sadd.s32 $0x690, s7  }
0x95: {  	[hbm4b:s12+s3] =	stream.linear.scatter [tilespmem:s11], [sflag:$0x2], $0x80, $0x38;
	[tilespmem:$0x14280] =	vst v63  }
0x96: {  	s11 =	sor.u32 $0x3800, s8;
	s12 =	sadd.s32 $0x710, s7  }
0x97: {  	[hbm4b:s12+s3] =	stream.linear.scatter [tilespmem:s11], [sflag:$0x2], $0x80, $0x38;
	[tilespmem:$0x14280] =	vst v63  }
0x98: {  	s10 =	spop (v2sf);
	s8 =	sor.u32 $0x3C00, s8;
	s12 =	sadd.s32 $0x790, s7  }
0x99: {  	[hbm4b:s12+s3] =	stream.linear.scatter [tilespmem:s8], [sflag:$0x2], $0x80, $0x38;
	[tilespmem:$0x14280] =	vst v63  }
0x9a: {  	s11 =	sshll.u32 s10, $0xB;
	s8 =	sshll.u32 s10, $0x7  }
0x9b: {  	s10 =	sand.u32 $0xFFFFC000, s11;
	s8 =	sand.u32 $0x380, s8  }
0x9c: {  	s12 =	sadd.s32 $0x20, s7;
	s8 =	sor.u32 s8, s10  }
0x9d: {  	[hbm4b:s12+s3] =	stream.linear.scatter [tilespmem:s8], [sflag:$0x3], $0x80, $0x38;
	[tilespmem:$0x14280] =	vst v63  }
0x9e: {  	s10 =	sor.u32 $0x400, s8;
	s12 =	sadd.s32 $0xA0, s7  }
0x9f: {  	[hbm4b:s12+s3] =	stream.linear.scatter [tilespmem:s10], [sflag:$0x3], $0x80, $0x38;
	[tilespmem:$0x14280] =	vst v63  }
0xa0: {  	s11 =	sor.u32 $0x800, s8;
	s12 =	sadd.s32 $0x120, s7  }
0xa1: {  	[hbm4b:s12+s3] =	stream.linear.scatter [tilespmem:s11], [sflag:$0x3], $0x80, $0x38;
	[tilespmem:$0x14280] =	vst v63  }
0xa2: {  	s11 =	sor.u32 $0xC00, s8;
	s12 =	sadd.s32 $0x1A0, s7  }
0xa3: {  	[hbm4b:s12+s3] =	stream.linear.scatter [tilespmem:s11], [sflag:$0x3], $0x80, $0x38;
	[tilespmem:$0x14280] =	vst v63  }
0xa4: {  	s11 =	sor.u32 $0x1000, s8;
	s12 =	sadd.s32 $0x220, s7  }
0xa5: {  	[hbm4b:s12+s3] =	stream.linear.scatter [tilespmem:s11], [sflag:$0x3], $0x80, $0x38;
	[tilespmem:$0x14280] =	vst v63  }
0xa6: {  	s11 =	sor.u32 $0x1400, s8;
	s12 =	sadd.s32 $0x2A0, s7  }
0xa7: {  	[hbm4b:s12+s3] =	stream.linear.scatter [tilespmem:s11], [sflag:$0x3], $0x80, $0x38;
	[tilespmem:$0x14280] =	vst v63  }
0xa8: {  	s11 =	sor.u32 $0x1800, s8;
	s12 =	sadd.s32 $0x320, s7  }
0xa9: {  	[hbm4b:s12+s3] =	stream.linear.scatter [tilespmem:s11], [sflag:$0x3], $0x80, $0x38;
	[tilespmem:$0x14280] =	vst v63  }
0xaa: {  	s11 =	sor.u32 $0x1C00, s8;
	s12 =	sadd.s32 $0x3A0, s7  }
0xab: {  	(v2sf) =	vpush v0, $0x3;
	[hbm4b:s12+s3] =	stream.linear.scatter [tilespmem:s11], [sflag:$0x3], $0x80, $0x38;
	[tilespmem:$0x14280] =	vst v63  }
0xac: {  	s11 =	sor.u32 $0x2000, s8;
	s12 =	sadd.s32 $0x420, s7  }
0xad: {  	[hbm4b:s12+s3] =	stream.linear.scatter [tilespmem:s11], [sflag:$0x3], $0x80, $0x38;
	[tilespmem:$0x14280] =	vst v63  }
0xae: {  	s11 =	sor.u32 $0x2400, s8;
	s12 =	sadd.s32 $0x4A0, s7  }
0xaf: {  	[hbm4b:s12+s3] =	stream.linear.scatter [tilespmem:s11], [sflag:$0x3], $0x80, $0x38;
	[tilespmem:$0x14280] =	vst v63  }
0xb0: {  	s11 =	sor.u32 $0x2800, s8;
	s12 =	sadd.s32 $0x520, s7  }
0xb1: {  	[hbm4b:s12+s3] =	stream.linear.scatter [tilespmem:s11], [sflag:$0x3], $0x80, $0x38;
	[tilespmem:$0x14280] =	vst v63  }
0xb2: {  	s11 =	sor.u32 $0x2C00, s8;
	s12 =	sadd.s32 $0x5A0, s7  }
0xb3: {  	[hbm4b:s12+s3] =	stream.linear.scatter [tilespmem:s11], [sflag:$0x3], $0x80, $0x38;
	[tilespmem:$0x14280] =	vst v63  }
0xb4: {  	s11 =	sor.u32 $0x3000, s8;
	s12 =	sadd.s32 $0x620, s7  }
0xb5: {  	[hbm4b:s12+s3] =	stream.linear.scatter [tilespmem:s11], [sflag:$0x3], $0x80, $0x38;
	[tilespmem:$0x14280] =	vst v63  }
0xb6: {  	s11 =	sor.u32 $0x3400, s8;
	s12 =	sadd.s32 $0x6A0, s7  }
0xb7: {  	[hbm4b:s12+s3] =	stream.linear.scatter [tilespmem:s11], [sflag:$0x3], $0x80, $0x38;
	[tilespmem:$0x14280] =	vst v63  }
0xb8: {  	s11 =	sor.u32 $0x3800, s8;
	s12 =	sadd.s32 $0x720, s7  }
0xb9: {  	[hbm4b:s12+s3] =	stream.linear.scatter [tilespmem:s11], [sflag:$0x3], $0x80, $0x38;
	[tilespmem:$0x14280] =	vst v63  }
0xba: {  	s10 =	spop (v2sf);
	s8 =	sor.u32 $0x3C00, s8;
	s12 =	sadd.s32 $0x7A0, s7  }
0xbb: {  	[hbm4b:s12+s3] =	stream.linear.scatter [tilespmem:s8], [sflag:$0x3], $0x80, $0x38;
	[tilespmem:$0x14280] =	vst v63  }
0xbc: {  	s11 =	sshll.u32 s10, $0xB;
	s8 =	sshll.u32 s10, $0x7  }
0xbd: {  	s10 =	sand.u32 $0xFFFFC000, s11;
	s8 =	sand.u32 $0x380, s8  }
0xbe: {  	s12 =	sadd.s32 $0x30, s7;
	s8 =	sor.u32 s8, s10  }
0xbf: {  	[hbm4b:s12+s3] =	stream.linear.scatter [tilespmem:s8], [sflag:$0x4], $0x80, $0x38;
	[tilespmem:$0x14280] =	vst v63  }
0xc0: {  	s10 =	sor.u32 $0x400, s8;
	s12 =	sadd.s32 $0xB0, s7  }
0xc1: {  	[hbm4b:s12+s3] =	stream.linear.scatter [tilespmem:s10], [sflag:$0x4], $0x80, $0x38;
	[tilespmem:$0x14280] =	vst v63  }
0xc2: {  	s11 =	sor.u32 $0x800, s8;
	s12 =	sadd.s32 $0x130, s7  }
0xc3: {  	[hbm4b:s12+s3] =	stream.linear.scatter [tilespmem:s11], [sflag:$0x4], $0x80, $0x38;
	[tilespmem:$0x14280] =	vst v63  }
0xc4: {  	s11 =	sor.u32 $0xC00, s8;
	s12 =	sadd.s32 $0x1B0, s7  }
0xc5: {  	[hbm4b:s12+s3] =	stream.linear.scatter [tilespmem:s11], [sflag:$0x4], $0x80, $0x38;
	[tilespmem:$0x14280] =	vst v63  }
0xc6: {  	s11 =	sor.u32 $0x1000, s8;
	s12 =	sadd.s32 $0x230, s7  }
0xc7: {  	[hbm4b:s12+s3] =	stream.linear.scatter [tilespmem:s11], [sflag:$0x4], $0x80, $0x38;
	[tilespmem:$0x14280] =	vst v63  }
0xc8: {  	s11 =	sor.u32 $0x1400, s8;
	s12 =	sadd.s32 $0x2B0, s7  }
0xc9: {  	[hbm4b:s12+s3] =	stream.linear.scatter [tilespmem:s11], [sflag:$0x4], $0x80, $0x38;
	[tilespmem:$0x14280] =	vst v63  }
0xca: {  	s6 =	smul.u32 $0x14, s6;
	s11 =	sor.u32 $0x1800, s8;
	s12 =	sadd.s32 $0x330, s7  }
0xcb: {  	[hbm4b:s12+s3] =	stream.linear.scatter [tilespmem:s11], [sflag:$0x4], $0x80, $0x38;
	[tilespmem:$0x14280] =	vst v63  }
0xcc: {  	s2 =	ssub.s32 s2, s6;
	s11 =	sor.u32 $0x1C00, s8;
	s12 =	sadd.s32 $0x3B0, s7  }
0xcd: {  	[hbm4b:s12+s3] =	stream.linear.scatter [tilespmem:s11], [sflag:$0x4], $0x80, $0x38;
	[tilespmem:$0x14280] =	vst v63  }
0xce: {  	s10 =	ssub.s32 $0xFFFFFFF0, s6;
	s11 =	sor.u32 $0x2000, s8;
	s12 =	sadd.s32 $0x430, s7  }
0xcf: {  	[hbm4b:s12+s3] =	stream.linear.scatter [tilespmem:s11], [sflag:$0x4], $0x80, $0x38;
	[tilespmem:$0x14280] =	vst v63  }
0xd0: {  	s6 =	simm.s32 $0x1;
	s11 =	sor.u32 $0x2400, s8;
	s12 =	sadd.s32 $0x4B0, s7  }
0xd1: {  	(v2sf) =	vpush v0, $0x4;
	[hbm4b:s12+s3] =	stream.linear.scatter [tilespmem:s11], [sflag:$0x4], $0x80, $0x38;
	[tilespmem:$0x14280] =	vst v63  }
0xd2: {  	s0 =	sadd.s32 s10, s0;
	s11 =	sor.u32 $0x2800, s8;
	s12 =	sadd.s32 $0x530, s7  }
0xd3: {  	[hbm4b:s12+s3] =	stream.linear.scatter [tilespmem:s11], [sflag:$0x4], $0x80, $0x38;
	[tilespmem:$0x14280] =	vst v63  }
0xd4: {  	p0 =	seq.s32 s0, $0x0;
	s11 =	sor.u32 $0x2C00, s8;
	s12 =	sadd.s32 $0x5B0, s7  }
0xd5: {  	[hbm4b:s12+s3] =	stream.linear.scatter [tilespmem:s11], [sflag:$0x4], $0x80, $0x38;
	[tilespmem:$0x14280] =	vst v63  }
0xd6: {  	s0 =	sadd.s32 s2, s31;
	s11 =	sor.u32 $0x3000, s8;
	s12 =	sadd.s32 $0x630, s7  }
0xd7: {  	[hbm4b:s12+s3] =	stream.linear.scatter [tilespmem:s11], [sflag:$0x4], $0x80, $0x38;
	[tilespmem:$0x14280] =	vst v63  }
0xd8: {  	s6 =	simm.s32 @!p0 $0x0;
	s11 =	sor.u32 $0x3400, s8;
	s12 =	sadd.s32 $0x6B0, s7  }
0xd9: {  	[hbm4b:s12+s3] =	stream.linear.scatter [tilespmem:s11], [sflag:$0x4], $0x80, $0x38;
	[tilespmem:$0x14280] =	vst v63  }
0xda: {  	s0 =	simm.s32 @p0 $0x0;
	s11 =	sor.u32 $0x3800, s8;
	s12 =	sadd.s32 $0x730, s7  }
0xdb: {  	[hbm4b:s12+s3] =	stream.linear.scatter [tilespmem:s11], [sflag:$0x4], $0x80, $0x38;
	[tilespmem:$0x14280] =	vst v63  }
0xdc: {  	s2 =	sadd.s32 s6, s1;
	s8 =	sor.u32 $0x3C00, s8;
	s7 =	sadd.s32 $0x7B0, s7  }
0xdd: {  	[hbm4b:s7+s3] =	stream.linear.scatter [tilespmem:s8], [sflag:$0x4], $0x80, $0x38;
	[tilespmem:$0x14280] =	vst v63  }
0xde: {  	s1 =	smul.u32 $0xC000, s2;
	s7 =	sshll.u32 s0, $0xB  }
0xdf: {  	s6 =	sand.u32 $0xFFFFC000, s7;
	s7 =	sshll.u32 s0, $0x7  }
0xe0: {  	s10 =	spop (v2sf);
	s6 =	sadd.s32 s6, s1;
	s8 =	sand.u32 $0x200, s7  }
0xe1: {  	s11 =	sshll.u32 s10, $0xB;
	s1 =	sor.u32 s8, s6;
	s8 =	sshll.u32 s10, $0x7  }
0xe2: {  	s10 =	sand.u32 $0xFFFFC000, s11;
	s1 =	sshrl.u32 s1, $0x3;
	s8 =	sand.u32 $0x380, s8  }
0xe3: {  	s1 =	sadd.s32 s4, s1;
	s8 =	sor.u32 s8, s10  }
0xe4: {  	[hbm4b:s1+s3] =	stream.linear.scatter [tilespmem:s8], [sflag:$0x5], $0x80, $0x38;
	[tilespmem:$0x14280] =	vst v63  }
0xe5: {  	s10 =	sor.u32 $0x400, s8;
	s12 =	sadd.s32 $0x80, s1  }
0xe6: {  	[hbm4b:s12+s3] =	stream.linear.scatter [tilespmem:s10], [sflag:$0x5], $0x80, $0x38;
	[tilespmem:$0x14280] =	vst v63  }
0xe7: {  	s11 =	sor.u32 $0x800, s8;
	s12 =	sadd.s32 $0x100, s1  }
0xe8: {  	[hbm4b:s12+s3] =	stream.linear.scatter [tilespmem:s11], [sflag:$0x5], $0x80, $0x38;
	[tilespmem:$0x14280] =	vst v63  }
0xe9: {  	s11 =	sor.u32 $0xC00, s8;
	s12 =	sadd.s32 $0x180, s1  }
0xea: {  	[hbm4b:s12+s3] =	stream.linear.scatter [tilespmem:s11], [sflag:$0x5], $0x80, $0x38;
	[tilespmem:$0x14280] =	vst v63  }
0xeb: {  	s11 =	sor.u32 $0x1000, s8;
	s12 =	sadd.s32 $0x200, s1  }
0xec: {  	[hbm4b:s12+s3] =	stream.linear.scatter [tilespmem:s11], [sflag:$0x5], $0x80, $0x38;
	[tilespmem:$0x14280] =	vst v63  }
0xed: {  	s11 =	sor.u32 $0x1400, s8;
	s12 =	sadd.s32 $0x280, s1  }
0xee: {  	[hbm4b:s12+s3] =	stream.linear.scatter [tilespmem:s11], [sflag:$0x5], $0x80, $0x38;
	[tilespmem:$0x14280] =	vst v63  }
0xef: {  	s11 =	sor.u32 $0x1800, s8;
	s12 =	sadd.s32 $0x300, s1  }
0xf0: {  	[hbm4b:s12+s3] =	stream.linear.scatter [tilespmem:s11], [sflag:$0x5], $0x80, $0x38;
	[tilespmem:$0x14280] =	vst v63  }
0xf1: {  	s11 =	sor.u32 $0x1C00, s8;
	s12 =	sadd.s32 $0x380, s1  }
0xf2: {  	[hbm4b:s12+s3] =	stream.linear.scatter [tilespmem:s11], [sflag:$0x5], $0x80, $0x38;
	[tilespmem:$0x14280] =	vst v63  }
0xf3: {  	s11 =	sor.u32 $0x2000, s8;
	s12 =	sadd.s32 $0x400, s1  }
0xf4: {  	(v2sf) =	vpush v0, $0x5;
	[hbm4b:s12+s3] =	stream.linear.scatter [tilespmem:s11], [sflag:$0x5], $0x80, $0x38;
	[tilespmem:$0x14280] =	vst v63  }
0xf5: {  	s11 =	sor.u32 $0x2400, s8;
	s12 =	sadd.s32 $0x480, s1  }
0xf6: {  	[hbm4b:s12+s3] =	stream.linear.scatter [tilespmem:s11], [sflag:$0x5], $0x80, $0x38;
	[tilespmem:$0x14280] =	vst v63  }
0xf7: {  	s11 =	sor.u32 $0x2800, s8;
	s12 =	sadd.s32 $0x500, s1  }
0xf8: {  	[hbm4b:s12+s3] =	stream.linear.scatter [tilespmem:s11], [sflag:$0x5], $0x80, $0x38;
	[tilespmem:$0x14280] =	vst v63  }
0xf9: {  	s11 =	sor.u32 $0x2C00, s8;
	s12 =	sadd.s32 $0x580, s1  }
0xfa: {  	[hbm4b:s12+s3] =	stream.linear.scatter [tilespmem:s11], [sflag:$0x5], $0x80, $0x38;
	[tilespmem:$0x14280] =	vst v63  }
0xfb: {  	s11 =	sor.u32 $0x3000, s8;
	s12 =	sadd.s32 $0x600, s1  }
0xfc: {  	[hbm4b:s12+s3] =	stream.linear.scatter [tilespmem:s11], [sflag:$0x5], $0x80, $0x38;
	[tilespmem:$0x14280] =	vst v63  }
0xfd: {  	s11 =	sor.u32 $0x3400, s8;
	s12 =	sadd.s32 $0x680, s1  }
0xfe: {  	[hbm4b:s12+s3] =	stream.linear.scatter [tilespmem:s11], [sflag:$0x5], $0x80, $0x38;
	[tilespmem:$0x14280] =	vst v63  }
0xff: {  	s11 =	sor.u32 $0x3800, s8;
	s12 =	sadd.s32 $0x700, s1  }
0x100: {  	[hbm4b:s12+s3] =	stream.linear.scatter [tilespmem:s11], [sflag:$0x5], $0x80, $0x38;
	[tilespmem:$0x14280] =	vst v63  }
0x101: {  	s10 =	sand.u32 $0x300, s7;
	s8 =	sor.u32 $0x3C00, s8;
	s12 =	sadd.s32 $0x780, s1  }
0x102: {  	[hbm4b:s12+s3] =	stream.linear.scatter [tilespmem:s8], [sflag:$0x5], $0x80, $0x38;
	[tilespmem:$0x14280] =	vst v63  }
0x103: {  	s11 =	spop (v2sf);
	s8 =	sor.u32 s6, s10  }
0x104: {  	s12 =	sshll.u32 s11, $0xB;
	s10 =	sshll.u32 s11, $0x7;
	s8 =	sshrl.u32 s8, $0x3  }
0x105: {  	s11 =	sand.u32 $0xFFFFC000, s12;
	s10 =	sand.u32 $0x380, s10;
	s8 =	sadd.s32 s8, s4  }
0x106: {  	s10 =	sor.u32 s10, s11;
	s12 =	sadd.s32 $0x10, s8  }
0x107: {  	[hbm4b:s12+s3] =	stream.linear.scatter [tilespmem:s10], [sflag:$0x6], $0x80, $0x38;
	[tilespmem:$0x14280] =	vst v63  }
0x108: {  	s11 =	sor.u32 $0x400, s10;
	s12 =	sadd.s32 $0x90, s8  }
0x109: {  	[hbm4b:s12+s3] =	stream.linear.scatter [tilespmem:s11], [sflag:$0x6], $0x80, $0x38;
	[tilespmem:$0x14280] =	vst v63  }
0x10a: {  	s11 =	sor.u32 $0x800, s10;
	s12 =	sadd.s32 $0x110, s8  }
0x10b: {  	[hbm4b:s12+s3] =	stream.linear.scatter [tilespmem:s11], [sflag:$0x6], $0x80, $0x38;
	[tilespmem:$0x14280] =	vst v63  }
0x10c: {  	s11 =	sor.u32 $0xC00, s10;
	s12 =	sadd.s32 $0x190, s8  }
0x10d: {  	[hbm4b:s12+s3] =	stream.linear.scatter [tilespmem:s11], [sflag:$0x6], $0x80, $0x38;
	[tilespmem:$0x14280] =	vst v63  }
0x10e: {  	s11 =	sor.u32 $0x1000, s10;
	s12 =	sadd.s32 $0x210, s8  }
0x10f: {  	[hbm4b:s12+s3] =	stream.linear.scatter [tilespmem:s11], [sflag:$0x6], $0x80, $0x38;
	[tilespmem:$0x14280] =	vst v63  }
0x110: {  	s11 =	sor.u32 $0x1400, s10;
	s12 =	sadd.s32 $0x290, s8  }
0x111: {  	[hbm4b:s12+s3] =	stream.linear.scatter [tilespmem:s11], [sflag:$0x6], $0x80, $0x38;
	[tilespmem:$0x14280] =	vst v63  }
0x112: {  	s11 =	sor.u32 $0x1800, s10;
	s12 =	sadd.s32 $0x310, s8  }
0x113: {  	[hbm4b:s12+s3] =	stream.linear.scatter [tilespmem:s11], [sflag:$0x6], $0x80, $0x38;
	[tilespmem:$0x14280] =	vst v63  }
0x114: {  	s11 =	sor.u32 $0x1C00, s10;
	s12 =	sadd.s32 $0x390, s8  }
0x115: {  	[hbm4b:s12+s3] =	stream.linear.scatter [tilespmem:s11], [sflag:$0x6], $0x80, $0x38;
	[tilespmem:$0x14280] =	vst v63  }
0x116: {  	s11 =	sor.u32 $0x2000, s10;
	s12 =	sadd.s32 $0x410, s8  }
0x117: {  	(v2sf) =	vpush v0, $0x6;
	[hbm4b:s12+s3] =	stream.linear.scatter [tilespmem:s11], [sflag:$0x6], $0x80, $0x38;
	[tilespmem:$0x14280] =	vst v63  }
0x118: {  	s11 =	sor.u32 $0x2400, s10;
	s12 =	sadd.s32 $0x490, s8  }
0x119: {  	[hbm4b:s12+s3] =	stream.linear.scatter [tilespmem:s11], [sflag:$0x6], $0x80, $0x38;
	[tilespmem:$0x14280] =	vst v63  }
0x11a: {  	s11 =	sor.u32 $0x2800, s10;
	s12 =	sadd.s32 $0x510, s8  }
0x11b: {  	[hbm4b:s12+s3] =	stream.linear.scatter [tilespmem:s11], [sflag:$0x6], $0x80, $0x38;
	[tilespmem:$0x14280] =	vst v63  }
0x11c: {  	s11 =	sor.u32 $0x2C00, s10;
	s12 =	sadd.s32 $0x590, s8  }
0x11d: {  	[hbm4b:s12+s3] =	stream.linear.scatter [tilespmem:s11], [sflag:$0x6], $0x80, $0x38;
	[tilespmem:$0x14280] =	vst v63  }
0x11e: {  	s11 =	sor.u32 $0x3000, s10;
	s12 =	sadd.s32 $0x610, s8  }
0x11f: {  	[hbm4b:s12+s3] =	stream.linear.scatter [tilespmem:s11], [sflag:$0x6], $0x80, $0x38;
	[tilespmem:$0x14280] =	vst v63  }
0x120: {  	s11 =	sor.u32 $0x3400, s10;
	s12 =	sadd.s32 $0x690, s8  }
0x121: {  	[hbm4b:s12+s3] =	stream.linear.scatter [tilespmem:s11], [sflag:$0x6], $0x80, $0x38;
	[tilespmem:$0x14280] =	vst v63  }
0x122: {  	s11 =	sor.u32 $0x3800, s10;
	s12 =	sadd.s32 $0x710, s8  }
0x123: {  	[hbm4b:s12+s3] =	stream.linear.scatter [tilespmem:s11], [sflag:$0x6], $0x80, $0x38;
	[tilespmem:$0x14280] =	vst v63  }
0x124: {  	s7 =	sand.u32 $0x280, s7;
	s10 =	sor.u32 $0x3C00, s10;
	s8 =	sadd.s32 $0x790, s8  }
0x125: {  	[hbm4b:s8+s3] =	stream.linear.scatter [tilespmem:s10], [sflag:$0x6], $0x80, $0x38;
	[tilespmem:$0x14280] =	vst v63  }
0x126: {  	s6 =	sor.u32 s6, s7;
	s8 =	spop (v2sf)  }
0x127: {  	s6 =	sshrl.u32 s6, $0x3;
	s10 =	sshll.u32 s8, $0xB;
	s7 =	sshll.u32 s8, $0x7  }
0x128: {  	s6 =	sadd.s32 s6, s4;
	s8 =	sand.u32 $0xFFFFC000, s10;
	s7 =	sand.u32 $0x380, s7  }
0x129: {  	s11 =	sadd.s32 $0x20, s6;
	s7 =	sor.u32 s7, s8  }
0x12a: {  	[hbm4b:s11+s3] =	stream.linear.scatter [tilespmem:s7], [sflag:$0x7], $0x80, $0x38;
	[tilespmem:$0x14280] =	vst v63  }
0x12b: {  	s12 =	sadd.s32 $0xA0, s6;
	s8 =	sor.u32 $0x400, s7  }
0x12c: {  	[hbm4b:s12+s3] =	stream.linear.scatter [tilespmem:s8], [sflag:$0x7], $0x80, $0x38;
	[tilespmem:$0x14280] =	vst v63  }
0x12d: {  	s11 =	sor.u32 $0x800, s7;
	s12 =	sadd.s32 $0x120, s6  }
0x12e: {  	[hbm4b:s12+s3] =	stream.linear.scatter [tilespmem:s11], [sflag:$0x7], $0x80, $0x38;
	[tilespmem:$0x14280] =	vst v63  }
0x12f: {  	s11 =	sor.u32 $0xC00, s7;
	s12 =	sadd.s32 $0x1A0, s6  }
0x130: {  	[hbm4b:s12+s3] =	stream.linear.scatter [tilespmem:s11], [sflag:$0x7], $0x80, $0x38;
	[tilespmem:$0x14280] =	vst v63  }
0x131: {  	s11 =	sor.u32 $0x1000, s7;
	s12 =	sadd.s32 $0x220, s6  }
0x132: {  	[hbm4b:s12+s3] =	stream.linear.scatter [tilespmem:s11], [sflag:$0x7], $0x80, $0x38;
	[tilespmem:$0x14280] =	vst v63  }
0x133: {  	s11 =	sor.u32 $0x1400, s7;
	s12 =	sadd.s32 $0x2A0, s6  }
0x134: {  	[hbm4b:s12+s3] =	stream.linear.scatter [tilespmem:s11], [sflag:$0x7], $0x80, $0x38;
	[tilespmem:$0x14280] =	vst v63  }
0x135: {  	s11 =	sor.u32 $0x1800, s7;
	s12 =	sadd.s32 $0x320, s6  }
0x136: {  	[hbm4b:s12+s3] =	stream.linear.scatter [tilespmem:s11], [sflag:$0x7], $0x80, $0x38;
	[tilespmem:$0x14280] =	vst v63  }
0x137: {  	s11 =	sor.u32 $0x1C00, s7;
	s12 =	sadd.s32 $0x3A0, s6  }
0x138: {  	(v2sf) =	vpush v0, $0x7;
	[hbm4b:s12+s3] =	stream.linear.scatter [tilespmem:s11], [sflag:$0x7], $0x80, $0x38;
	[tilespmem:$0x14280] =	vst v63  }
0x139: {  	s11 =	sor.u32 $0x2000, s7;
	s12 =	sadd.s32 $0x420, s6  }
0x13a: {  	[hbm4b:s12+s3] =	stream.linear.scatter [tilespmem:s11], [sflag:$0x7], $0x80, $0x38;
	[tilespmem:$0x14280] =	vst v63  }
0x13b: {  	s11 =	sor.u32 $0x2400, s7;
	s12 =	sadd.s32 $0x4A0, s6  }
0x13c: {  	[hbm4b:s12+s3] =	stream.linear.scatter [tilespmem:s11], [sflag:$0x7], $0x80, $0x38;
	[tilespmem:$0x14280] =	vst v63  }
0x13d: {  	s11 =	sor.u32 $0x2800, s7;
	s12 =	sadd.s32 $0x520, s6  }
0x13e: {  	[hbm4b:s12+s3] =	stream.linear.scatter [tilespmem:s11], [sflag:$0x7], $0x80, $0x38;
	[tilespmem:$0x14280] =	vst v63  }
0x13f: {  	s11 =	sor.u32 $0x2C00, s7;
	s12 =	sadd.s32 $0x5A0, s6  }
0x140: {  	[hbm4b:s12+s3] =	stream.linear.scatter [tilespmem:s11], [sflag:$0x7], $0x80, $0x38;
	[tilespmem:$0x14280] =	vst v63  }
0x141: {  	s11 =	sor.u32 $0x3000, s7;
	s12 =	sadd.s32 $0x620, s6  }
0x142: {  	[hbm4b:s12+s3] =	stream.linear.scatter [tilespmem:s11], [sflag:$0x7], $0x80, $0x38;
	[tilespmem:$0x14280] =	vst v63  }
0x143: {  	s11 =	sor.u32 $0x3400, s7;
	s12 =	sadd.s32 $0x6A0, s6  }
0x144: {  	[hbm4b:s12+s3] =	stream.linear.scatter [tilespmem:s11], [sflag:$0x7], $0x80, $0x38;
	[tilespmem:$0x14280] =	vst v63  }
0x145: {  	s11 =	sor.u32 $0x3800, s7;
	s12 =	sadd.s32 $0x720, s6  }
0x146: {  	[hbm4b:s12+s3] =	stream.linear.scatter [tilespmem:s11], [sflag:$0x7], $0x80, $0x38;
	[tilespmem:$0x14280] =	vst v63  }
0x147: {  	s10 =	spop (v2sf);
	s7 =	sor.u32 $0x3C00, s7;
	s6 =	sadd.s32 $0x7A0, s6  }
0x148: {  	[hbm4b:s6+s3] =	stream.linear.scatter [tilespmem:s7], [sflag:$0x7], $0x80, $0x38;
	[tilespmem:$0x14280] =	vst v63  }
0x149: {  	s11 =	sshll.u32 s10, $0xB;
	s6 =	sshll.u32 s10, $0x7  }
0x14a: {  	s7 =	sand.u32 $0xFFFFC000, s11;
	s6 =	sand.u32 $0x380, s6  }
0x14b: {  	s12 =	sadd.s32 $0x30, s1;
	s6 =	sor.u32 s6, s7  }
0x14c: {  	[hbm4b:s12+s3] =	stream.linear.scatter [tilespmem:s6], [sflag:$0x8], $0x80, $0x38;
	[tilespmem:$0x14280] =	vst v63  }
0x14d: {  	s10 =	sadd.s32 $0xB0, s1;
	s7 =	sor.u32 $0x400, s6  }
0x14e: {  	[hbm4b:s10+s3] =	stream.linear.scatter [tilespmem:s7], [sflag:$0x8], $0x80, $0x38;
	[tilespmem:$0x14280] =	vst v63  }
0x14f: {  	s11 =	sor.u32 $0x800, s6;
	s12 =	sadd.s32 $0x130, s1  }
0x150: {  	[hbm4b:s12+s3] =	stream.linear.scatter [tilespmem:s11], [sflag:$0x8], $0x80, $0x38;
	[tilespmem:$0x14280] =	vst v63  }
0x151: {  	s8 =	sor.u32 $0xC00, s6;
	s10 =	sadd.s32 $0x1B0, s1  }
0x152: {  	[hbm4b:s10+s3] =	stream.linear.scatter [tilespmem:s8], [sflag:$0x8], $0x80, $0x38;
	[tilespmem:$0x14280] =	vst v63  }
0x153: {  	s11 =	sor.u32 $0x1000, s6;
	s12 =	sadd.s32 $0x230, s1  }
0x154: {  	[hbm4b:s12+s3] =	stream.linear.scatter [tilespmem:s11], [sflag:$0x8], $0x80, $0x38;
	[tilespmem:$0x14280] =	vst v63  }
0x155: {  	s8 =	sor.u32 $0x1400, s6;
	s10 =	sadd.s32 $0x2B0, s1  }
0x156: {  	[hbm4b:s10+s3] =	stream.linear.scatter [tilespmem:s8], [sflag:$0x8], $0x80, $0x38;
	[tilespmem:$0x14280] =	vst v63  }
0x157: {  	s11 =	sor.u32 $0x1800, s6;
	s12 =	sadd.s32 $0x330, s1  }
0x158: {  	[hbm4b:s12+s3] =	stream.linear.scatter [tilespmem:s11], [sflag:$0x8], $0x80, $0x38;
	[tilespmem:$0x14280] =	vst v63  }
0x159: {  	s8 =	sor.u32 $0x1C00, s6;
	s10 =	sadd.s32 $0x3B0, s1  }
0x15a: {  	[hbm4b:s10+s3] =	stream.linear.scatter [tilespmem:s8], [sflag:$0x8], $0x80, $0x38;
	[tilespmem:$0x14280] =	vst v63  }
0x15b: {  	s11 =	sor.u32 $0x2000, s6;
	s12 =	sadd.s32 $0x430, s1  }
0x15c: {  	[hbm4b:s12+s3] =	stream.linear.scatter [tilespmem:s11], [sflag:$0x8], $0x80, $0x38;
	[tilespmem:$0x14280] =	vst v63  }
0x15d: {  	s8 =	sor.u32 $0x2400, s6;
	s10 =	sadd.s32 $0x4B0, s1  }
0x15e: {  	[hbm4b:s10+s3] =	stream.linear.scatter [tilespmem:s8], [sflag:$0x8], $0x80, $0x38;
	[tilespmem:$0x14280] =	vst v63  }
0x15f: {  	s11 =	sor.u32 $0x2800, s6;
	s12 =	sadd.s32 $0x530, s1  }
0x160: {  	[hbm4b:s12+s3] =	stream.linear.scatter [tilespmem:s11], [sflag:$0x8], $0x80, $0x38;
	[tilespmem:$0x14280] =	vst v63  }
0x161: {  	(v2sf) =	vpush v0, $0x8;
	s8 =	sor.u32 $0x2C00, s6;
	s10 =	sadd.s32 $0x5B0, s1  }
0x162: {  	[hbm4b:s10+s3] =	stream.linear.scatter [tilespmem:s8], [sflag:$0x8], $0x80, $0x38;
	[tilespmem:$0x14280] =	vst v63  }
0x163: {  	s11 =	sor.u32 $0x3000, s6;
	s12 =	sadd.s32 $0x630, s1  }
0x164: {  	[hbm4b:s12+s3] =	stream.linear.scatter [tilespmem:s11], [sflag:$0x8], $0x80, $0x38;
	[tilespmem:$0x14280] =	vst v63  }
0x165: {  	s8 =	sor.u32 $0x3400, s6;
	s10 =	sadd.s32 $0x6B0, s1  }
0x166: {  	[hbm4b:s10+s3] =	stream.linear.scatter [tilespmem:s8], [sflag:$0x8], $0x80, $0x38;
	[tilespmem:$0x14280] =	vst v63  }
0x167: {  	s11 =	sor.u32 $0x3800, s6;
	s12 =	sadd.s32 $0x730, s1  }
0x168: {  	[hbm4b:s12+s3] =	stream.linear.scatter [tilespmem:s11], [sflag:$0x8], $0x80, $0x38;
	[tilespmem:$0x14280] =	vst v63  }
0x169: {  	s6 =	sor.u32 $0x3C00, s6;
	s1 =	sadd.s32 $0x7B0, s1  }
0x16a: {  	[hbm4b:s1+s3] =	stream.linear.scatter [tilespmem:s6], [sflag:$0x8], $0x80, $0x38;
	[tilespmem:$0x14280] =	vst v63  }
0x16b: {  	p0 =	seq.s32 s0, $0x10;
	s6 =	simm.s32 $0x1  }
0x16c: {  	s1 =	sadd.s32 $0x4, s0;
	s6 =	simm.s32 @!p0 $0x0  }
0x16d: {  	s1 =	simm.s32 @p0 $0x0;
	s0 =	sadd.s32 s6, s2  }
0x16e: {  	s7 =	sshll.u32 s1, $0xB;
	s2 =	smul.u32 $0xC000, s0  }
0x16f: {  	s8 =	sshll.u32 s1, $0x7;
	s6 =	sand.u32 $0xFFFFC000, s7  }
0x170: {  	s10 =	spop (v2sf);
	s7 =	sand.u32 $0x380, s8;
	s6 =	sadd.s32 s6, s2  }
0x171: {  	s11 =	sshll.u32 s10, $0xB;
	s8 =	sshll.u32 s10, $0x7;
	s6 =	sor.u32 s7, s6  }
0x172: {  	s8 =	sand.u32 $0x380, s8;
	s7 =	sand.u32 $0xFFFFC000, s11;
	s6 =	sshrl.u32 s6, $0x3  }
0x173: {  	s7 =	sor.u32 s8, s7;
	s6 =	sadd.s32 s4, s6  }
0x174: {  	[hbm4b:s6+s3] =	stream.linear.scatter [tilespmem:s7], [sflag:$0x9], $0x80, $0x38;
	[tilespmem:$0x14280] =	vst v63  }
0x175: {  	s8 =	sor.u32 $0x400, s7;
	s12 =	sadd.s32 $0x80, s6  }
0x176: {  	[hbm4b:s12+s3] =	stream.linear.scatter [tilespmem:s8], [sflag:$0x9], $0x80, $0x38;
	[tilespmem:$0x14280] =	vst v63  }
0x177: {  	s11 =	sor.u32 $0x800, s7;
	s12 =	sadd.s32 $0x100, s6  }
0x178: {  	[hbm4b:s12+s3] =	stream.linear.scatter [tilespmem:s11], [sflag:$0x9], $0x80, $0x38;
	[tilespmem:$0x14280] =	vst v63  }
0x179: {  	s11 =	sor.u32 $0xC00, s7;
	s12 =	sadd.s32 $0x180, s6  }
0x17a: {  	[hbm4b:s12+s3] =	stream.linear.scatter [tilespmem:s11], [sflag:$0x9], $0x80, $0x38;
	[tilespmem:$0x14280] =	vst v63  }
0x17b: {  	s11 =	sor.u32 $0x1000, s7;
	s12 =	sadd.s32 $0x200, s6  }
0x17c: {  	[hbm4b:s12+s3] =	stream.linear.scatter [tilespmem:s11], [sflag:$0x9], $0x80, $0x38;
	[tilespmem:$0x14280] =	vst v63  }
0x17d: {  	s11 =	sor.u32 $0x1400, s7;
	s12 =	sadd.s32 $0x280, s6  }
0x17e: {  	[hbm4b:s12+s3] =	stream.linear.scatter [tilespmem:s11], [sflag:$0x9], $0x80, $0x38;
	[tilespmem:$0x14280] =	vst v63  }
0x17f: {  	s11 =	sor.u32 $0x1800, s7;
	s12 =	sadd.s32 $0x300, s6  }
0x180: {  	[hbm4b:s12+s3] =	stream.linear.scatter [tilespmem:s11], [sflag:$0x9], $0x80, $0x38;
	[tilespmem:$0x14280] =	vst v63  }
0x181: {  	s11 =	sor.u32 $0x1C00, s7;
	s12 =	sadd.s32 $0x380, s6  }
0x182: {  	[hbm4b:s12+s3] =	stream.linear.scatter [tilespmem:s11], [sflag:$0x9], $0x80, $0x38;
	[tilespmem:$0x14280] =	vst v63  }
0x183: {  	s11 =	sor.u32 $0x2000, s7;
	s12 =	sadd.s32 $0x400, s6  }
0x184: {  	[hbm4b:s12+s3] =	stream.linear.scatter [tilespmem:s11], [sflag:$0x9], $0x80, $0x38;
	[tilespmem:$0x14280] =	vst v63  }
0x185: {  	s11 =	sor.u32 $0x2400, s7;
	s12 =	sadd.s32 $0x480, s6  }
0x186: {  	[hbm4b:s12+s3] =	stream.linear.scatter [tilespmem:s11], [sflag:$0x9], $0x80, $0x38;
	[tilespmem:$0x14280] =	vst v63  }
0x187: {  	(v2sf) =	vpush v0, $0x9;
	s11 =	sor.u32 $0x2800, s7;
	s12 =	sadd.s32 $0x500, s6  }
0x188: {  	[hbm4b:s12+s3] =	stream.linear.scatter [tilespmem:s11], [sflag:$0x9], $0x80, $0x38;
	[tilespmem:$0x14280] =	vst v63  }
0x189: {  	s11 =	sor.u32 $0x2C00, s7;
	s12 =	sadd.s32 $0x580, s6  }
0x18a: {  	[hbm4b:s12+s3] =	stream.linear.scatter [tilespmem:s11], [sflag:$0x9], $0x80, $0x38;
	[tilespmem:$0x14280] =	vst v63  }
0x18b: {  	s11 =	sor.u32 $0x3000, s7;
	s12 =	sadd.s32 $0x600, s6  }
0x18c: {  	[hbm4b:s12+s3] =	stream.linear.scatter [tilespmem:s11], [sflag:$0x9], $0x80, $0x38;
	[tilespmem:$0x14280] =	vst v63  }
0x18d: {  	s11 =	sor.u32 $0x3400, s7;
	s12 =	sadd.s32 $0x680, s6  }
0x18e: {  	[hbm4b:s12+s3] =	stream.linear.scatter [tilespmem:s11], [sflag:$0x9], $0x80, $0x38;
	[tilespmem:$0x14280] =	vst v63  }
0x18f: {  	s11 =	sor.u32 $0x3800, s7;
	s12 =	sadd.s32 $0x700, s6  }
0x190: {  	[hbm4b:s12+s3] =	stream.linear.scatter [tilespmem:s11], [sflag:$0x9], $0x80, $0x38;
	[tilespmem:$0x14280] =	vst v63  }
0x191: {  	s7 =	sor.u32 $0x3C00, s7;
	s6 =	sadd.s32 $0x780, s6  }
0x192: {  	[hbm4b:s6+s3] =	stream.linear.scatter [tilespmem:s7], [sflag:$0x9], $0x80, $0x38;
	[tilespmem:$0x14280] =	vst v63  }
0x193: {  	s6 =	sadd.s32 $0x1, s1  }
0x194: {  	s11 =	sshll.u32 s6, $0xB  }
0x195: {  	s12 =	sshll.u32 s6, $0x7;
	s7 =	sand.u32 $0xFFFFC000, s11  }
0x196: {  	s10 =	spop (v2sf);
	s8 =	sand.u32 $0x380, s12;
	s2 =	sadd.s32 s2, s7  }
0x197: {  	s11 =	sshll.u32 s10, $0xB;
	s2 =	sor.u32 s8, s2;
	s8 =	sshll.u32 s10, $0x7  }
0x198: {  	s7 =	sand.u32 $0xFFFFC000, s11;
	s2 =	sshrl.u32 s2, $0x3;
	s8 =	sand.u32 $0x380, s8  }
0x199: {  	s2 =	sadd.s32 s4, s2;
	s7 =	sor.u32 s8, s7  }
0x19a: {  	[hbm4b:s2+s3] =	stream.linear.scatter [tilespmem:s7], [sflag:$0xA], $0x80, $0x38;
	[tilespmem:$0x14280] =	vst v63  }
0x19b: {  	s8 =	sor.u32 $0x400, s7;
	s12 =	sadd.s32 $0x80, s2  }
0x19c: {  	[hbm4b:s12+s3] =	stream.linear.scatter [tilespmem:s8], [sflag:$0xA], $0x80, $0x38;
	[tilespmem:$0x14280] =	vst v63  }
0x19d: {  	s11 =	sor.u32 $0x800, s7;
	s12 =	sadd.s32 $0x100, s2  }
0x19e: {  	[hbm4b:s12+s3] =	stream.linear.scatter [tilespmem:s11], [sflag:$0xA], $0x80, $0x38;
	[tilespmem:$0x14280] =	vst v63  }
0x19f: {  	s11 =	sor.u32 $0xC00, s7;
	s12 =	sadd.s32 $0x180, s2  }
0x1a0: {  	[hbm4b:s12+s3] =	stream.linear.scatter [tilespmem:s11], [sflag:$0xA], $0x80, $0x38;
	[tilespmem:$0x14280] =	vst v63  }
0x1a1: {  	s11 =	sor.u32 $0x1000, s7;
	s12 =	sadd.s32 $0x200, s2  }
0x1a2: {  	[hbm4b:s12+s3] =	stream.linear.scatter [tilespmem:s11], [sflag:$0xA], $0x80, $0x38;
	[tilespmem:$0x14280] =	vst v63  }
0x1a3: {  	s11 =	sor.u32 $0x1400, s7;
	s12 =	sadd.s32 $0x280, s2  }
0x1a4: {  	[hbm4b:s12+s3] =	stream.linear.scatter [tilespmem:s11], [sflag:$0xA], $0x80, $0x38;
	[tilespmem:$0x14280] =	vst v63  }
0x1a5: {  	s11 =	sor.u32 $0x1800, s7;
	s12 =	sadd.s32 $0x300, s2  }
0x1a6: {  	[hbm4b:s12+s3] =	stream.linear.scatter [tilespmem:s11], [sflag:$0xA], $0x80, $0x38;
	[tilespmem:$0x14280] =	vst v63  }
0x1a7: {  	s11 =	sor.u32 $0x1C00, s7;
	s12 =	sadd.s32 $0x380, s2  }
0x1a8: {  	[hbm4b:s12+s3] =	stream.linear.scatter [tilespmem:s11], [sflag:$0xA], $0x80, $0x38;
	[tilespmem:$0x14280] =	vst v63  }
0x1a9: {  	s11 =	sor.u32 $0x2000, s7;
	s12 =	sadd.s32 $0x400, s2  }
0x1aa: {  	[hbm4b:s12+s3] =	stream.linear.scatter [tilespmem:s11], [sflag:$0xA], $0x80, $0x38;
	[tilespmem:$0x14280] =	vst v63  }
0x1ab: {  	s11 =	sor.u32 $0x2400, s7;
	s12 =	sadd.s32 $0x480, s2  }
0x1ac: {  	[hbm4b:s12+s3] =	stream.linear.scatter [tilespmem:s11], [sflag:$0xA], $0x80, $0x38;
	[tilespmem:$0x14280] =	vst v63  }
0x1ad: {  	s11 =	sor.u32 $0x2800, s7;
	s12 =	sadd.s32 $0x500, s2  }
0x1ae: {  	[hbm4b:s12+s3] =	stream.linear.scatter [tilespmem:s11], [sflag:$0xA], $0x80, $0x38;
	[tilespmem:$0x14280] =	vst v63  }
0x1af: {  	(v2sf) =	vpush v0, $0xA;
	s11 =	sor.u32 $0x2C00, s7;
	s12 =	sadd.s32 $0x580, s2  }
0x1b0: {  	[hbm4b:s12+s3] =	stream.linear.scatter [tilespmem:s11], [sflag:$0xA], $0x80, $0x38;
	[tilespmem:$0x14280] =	vst v63  }
0x1b1: {  	s11 =	sor.u32 $0x3000, s7;
	s12 =	sadd.s32 $0x600, s2  }
0x1b2: {  	[hbm4b:s12+s3] =	stream.linear.scatter [tilespmem:s11], [sflag:$0xA], $0x80, $0x38;
	[tilespmem:$0x14280] =	vst v63  }
0x1b3: {  	s11 =	sor.u32 $0x3400, s7;
	s12 =	sadd.s32 $0x680, s2  }
0x1b4: {  	[hbm4b:s12+s3] =	stream.linear.scatter [tilespmem:s11], [sflag:$0xA], $0x80, $0x38;
	[tilespmem:$0x14280] =	vst v63  }
0x1b5: {  	s11 =	sor.u32 $0x3800, s7;
	s12 =	sadd.s32 $0x700, s2  }
0x1b6: {  	[hbm4b:s12+s3] =	stream.linear.scatter [tilespmem:s11], [sflag:$0xA], $0x80, $0x38;
	[tilespmem:$0x14280] =	vst v63  }
0x1b7: {  	s7 =	sor.u32 $0x3C00, s7;
	s2 =	sadd.s32 $0x780, s2  }
0x1b8: {  	[hbm4b:s2+s3] =	stream.linear.scatter [tilespmem:s7], [sflag:$0xA], $0x80, $0x38;
	[tilespmem:$0x14280] =	vst v63  }
0x1b9: {  	p0 =	seq.s32 s6, $0x13;
	s2 =	simm.s32 $0x1  }
0x1ba: {  	s1 =	sadd.s32 $0x2, s1;
	s2 =	simm.s32 @!p0 $0x0  }
0x1bb: {  	s1 =	simm.s32 @p0 $0x0;
	s0 =	sadd.s32 s2, s0  }
0x1bc: {  	s8 =	sshll.u32 s1, $0xB;
	s2 =	smul.u32 $0xC000, s0  }
0x1bd: {  	s10 =	sshll.u32 s1, $0x7;
	s6 =	sand.u32 $0xFFFFC000, s8  }
0x1be: {  	s11 =	sand.u32 $0x380, s10;
	s12 =	spop (v2sf);
	s2 =	sadd.s32 s6, s2  }
0x1bf: {  	s8 =	sshll.u32 s12, $0xB;
	s7 =	sshll.u32 s12, $0x7;
	s2 =	sor.u32 s11, s2  }
0x1c0: {  	s7 =	sand.u32 $0x380, s7;
	s6 =	sand.u32 $0xFFFFC000, s8;
	s2 =	sshrl.u32 s2, $0x3  }
0x1c1: {  	s6 =	sor.u32 s7, s6;
	s2 =	sadd.s32 s4, s2  }
0x1c2: {  	[hbm4b:s2+s3] =	stream.linear.scatter [tilespmem:s6], [sflag:$0xB], $0x80, $0x38;
	[tilespmem:$0x14280] =	vst v63  }
0x1c3: {  	s7 =	sor.u32 $0x400, s6;
	s10 =	sadd.s32 $0x80, s2  }
0x1c4: {  	[hbm4b:s10+s3] =	stream.linear.scatter [tilespmem:s7], [sflag:$0xB], $0x80, $0x38;
	[tilespmem:$0x14280] =	vst v63  }
0x1c5: {  	s11 =	sor.u32 $0x800, s6;
	s12 =	sadd.s32 $0x100, s2  }
0x1c6: {  	[hbm4b:s12+s3] =	stream.linear.scatter [tilespmem:s11], [sflag:$0xB], $0x80, $0x38;
	[tilespmem:$0x14280] =	vst v63  }
0x1c7: {  	s8 =	sor.u32 $0xC00, s6;
	s10 =	sadd.s32 $0x180, s2  }
0x1c8: {  	[hbm4b:s10+s3] =	stream.linear.scatter [tilespmem:s8], [sflag:$0xB], $0x80, $0x38;
	[tilespmem:$0x14280] =	vst v63  }
0x1c9: {  	s11 =	sor.u32 $0x1000, s6;
	s12 =	sadd.s32 $0x200, s2  }
0x1ca: {  	[hbm4b:s12+s3] =	stream.linear.scatter [tilespmem:s11], [sflag:$0xB], $0x80, $0x38;
	[tilespmem:$0x14280] =	vst v63  }
0x1cb: {  	s8 =	sor.u32 $0x1400, s6;
	s10 =	sadd.s32 $0x280, s2  }
0x1cc: {  	[hbm4b:s10+s3] =	stream.linear.scatter [tilespmem:s8], [sflag:$0xB], $0x80, $0x38;
	[tilespmem:$0x14280] =	vst v63  }
0x1cd: {  	s11 =	sor.u32 $0x1800, s6;
	s12 =	sadd.s32 $0x300, s2  }
0x1ce: {  	[hbm4b:s12+s3] =	stream.linear.scatter [tilespmem:s11], [sflag:$0xB], $0x80, $0x38;
	[tilespmem:$0x14280] =	vst v63  }
0x1cf: {  	s8 =	sor.u32 $0x1C00, s6;
	s10 =	sadd.s32 $0x380, s2  }
0x1d0: {  	[hbm4b:s10+s3] =	stream.linear.scatter [tilespmem:s8], [sflag:$0xB], $0x80, $0x38;
	[tilespmem:$0x14280] =	vst v63  }
0x1d1: {  	s11 =	sor.u32 $0x2000, s6;
	s12 =	sadd.s32 $0x400, s2  }
0x1d2: {  	[hbm4b:s12+s3] =	stream.linear.scatter [tilespmem:s11], [sflag:$0xB], $0x80, $0x38;
	[tilespmem:$0x14280] =	vst v63  }
0x1d3: {  	s8 =	sor.u32 $0x2400, s6;
	s10 =	sadd.s32 $0x480, s2  }
0x1d4: {  	[hbm4b:s10+s3] =	stream.linear.scatter [tilespmem:s8], [sflag:$0xB], $0x80, $0x38;
	[tilespmem:$0x14280] =	vst v63  }
0x1d5: {  	s11 =	sor.u32 $0x2800, s6;
	s12 =	sadd.s32 $0x500, s2  }
0x1d6: {  	[hbm4b:s12+s3] =	stream.linear.scatter [tilespmem:s11], [sflag:$0xB], $0x80, $0x38;
	[tilespmem:$0x14280] =	vst v63  }
0x1d7: {  	(v2sf) =	vpush v0, $0xB;
	s8 =	sor.u32 $0x2C00, s6;
	s10 =	sadd.s32 $0x580, s2  }
0x1d8: {  	[hbm4b:s10+s3] =	stream.linear.scatter [tilespmem:s8], [sflag:$0xB], $0x80, $0x38;
	[tilespmem:$0x14280] =	vst v63  }
0x1d9: {  	s11 =	sor.u32 $0x3000, s6;
	s12 =	sadd.s32 $0x600, s2  }
0x1da: {  	[hbm4b:s12+s3] =	stream.linear.scatter [tilespmem:s11], [sflag:$0xB], $0x80, $0x38;
	[tilespmem:$0x14280] =	vst v63  }
0x1db: {  	s8 =	sor.u32 $0x3400, s6;
	s10 =	sadd.s32 $0x680, s2  }
0x1dc: {  	[hbm4b:s10+s3] =	stream.linear.scatter [tilespmem:s8], [sflag:$0xB], $0x80, $0x38;
	[tilespmem:$0x14280] =	vst v63  }
0x1dd: {  	s11 =	sor.u32 $0x3800, s6;
	s12 =	sadd.s32 $0x700, s2  }
0x1de: {  	[hbm4b:s12+s3] =	stream.linear.scatter [tilespmem:s11], [sflag:$0xB], $0x80, $0x38;
	[tilespmem:$0x14280] =	vst v63  }
0x1df: {  	s6 =	sor.u32 $0x3C00, s6;
	s2 =	sadd.s32 $0x780, s2  }
0x1e0: {  	[hbm4b:s2+s3] =	stream.linear.scatter [tilespmem:s6], [sflag:$0xB], $0x80, $0x38;
	[tilespmem:$0x14280] =	vst v63  }
0x1e1: {  	p0 =	seq.s32 s1, $0x13;
	s2 =	simm.s32 $0x1  }
0x1e2: {  	s1 =	sadd.s32 $0x1, s1;
	s2 =	simm.s32 @!p0 $0x0  }
0x1e3: {  	s1 =	simm.s32 @p0 $0x0;
	s0 =	sadd.s32 s2, s0  }
0x1e4: {  	s8 =	sshll.u32 s1, $0xB;
	s2 =	smul.u32 $0xC000, s0  }
0x1e5: {  	s10 =	sshll.u32 s1, $0x7;
	s6 =	sand.u32 $0xFFFFC000, s8  }
0x1e6: {  	s11 =	sand.u32 $0x380, s10;
	s12 =	spop (v2sf);
	s2 =	sadd.s32 s6, s2  }
0x1e7: {  	s7 =	sshll.u32 s12, $0x7;
	s8 =	sshll.u32 s12, $0xB;
	s2 =	sor.u32 s11, s2  }
0x1e8: {  	s7 =	sand.u32 $0x380, s7;
	s6 =	sand.u32 $0xFFFFC000, s8;
	s2 =	sshrl.u32 s2, $0x3  }
0x1e9: {  	s6 =	sor.u32 s7, s6;
	s2 =	sadd.s32 s4, s2  }
0x1ea: {  	[hbm4b:s2+s3] =	stream.linear.scatter [tilespmem:s6], [sflag:$0xC], $0x80, $0x38;
	[tilespmem:$0x14280] =	vst v63  }
0x1eb: {  	s7 =	sor.u32 $0x400, s6;
	s10 =	sadd.s32 $0x80, s2  }
0x1ec: {  	[hbm4b:s10+s3] =	stream.linear.scatter [tilespmem:s7], [sflag:$0xC], $0x80, $0x38;
	[tilespmem:$0x14280] =	vst v63  }
0x1ed: {  	s11 =	sor.u32 $0x800, s6;
	s12 =	sadd.s32 $0x100, s2  }
0x1ee: {  	[hbm4b:s12+s3] =	stream.linear.scatter [tilespmem:s11], [sflag:$0xC], $0x80, $0x38;
	[tilespmem:$0x14280] =	vst v63  }
0x1ef: {  	s8 =	sor.u32 $0xC00, s6;
	s10 =	sadd.s32 $0x180, s2  }
0x1f0: {  	[hbm4b:s10+s3] =	stream.linear.scatter [tilespmem:s8], [sflag:$0xC], $0x80, $0x38;
	[tilespmem:$0x14280] =	vst v63  }
0x1f1: {  	s11 =	sor.u32 $0x1000, s6;
	s12 =	sadd.s32 $0x200, s2  }
0x1f2: {  	[hbm4b:s12+s3] =	stream.linear.scatter [tilespmem:s11], [sflag:$0xC], $0x80, $0x38;
	[tilespmem:$0x14280] =	vst v63  }
0x1f3: {  	s8 =	sor.u32 $0x1400, s6;
	s10 =	sadd.s32 $0x280, s2  }
0x1f4: {  	[hbm4b:s10+s3] =	stream.linear.scatter [tilespmem:s8], [sflag:$0xC], $0x80, $0x38;
	[tilespmem:$0x14280] =	vst v63  }
0x1f5: {  	s11 =	sor.u32 $0x1800, s6;
	s12 =	sadd.s32 $0x300, s2  }
0x1f6: {  	[hbm4b:s12+s3] =	stream.linear.scatter [tilespmem:s11], [sflag:$0xC], $0x80, $0x38;
	[tilespmem:$0x14280] =	vst v63  }
0x1f7: {  	s8 =	sor.u32 $0x1C00, s6;
	s10 =	sadd.s32 $0x380, s2  }
0x1f8: {  	[hbm4b:s10+s3] =	stream.linear.scatter [tilespmem:s8], [sflag:$0xC], $0x80, $0x38;
	[tilespmem:$0x14280] =	vst v63  }
0x1f9: {  	s11 =	sor.u32 $0x2000, s6;
	s12 =	sadd.s32 $0x400, s2  }
0x1fa: {  	[hbm4b:s12+s3] =	stream.linear.scatter [tilespmem:s11], [sflag:$0xC], $0x80, $0x38;
	[tilespmem:$0x14280] =	vst v63  }
0x1fb: {  	s8 =	sor.u32 $0x2400, s6;
	s10 =	sadd.s32 $0x480, s2  }
0x1fc: {  	[hbm4b:s10+s3] =	stream.linear.scatter [tilespmem:s8], [sflag:$0xC], $0x80, $0x38;
	[tilespmem:$0x14280] =	vst v63  }
0x1fd: {  	s11 =	sor.u32 $0x2800, s6;
	s12 =	sadd.s32 $0x500, s2  }
0x1fe: {  	[hbm4b:s12+s3] =	stream.linear.scatter [tilespmem:s11], [sflag:$0xC], $0x80, $0x38;
	[tilespmem:$0x14280] =	vst v63  }
0x1ff: {  	(v2sf) =	vpush v0, $0xC;
	s8 =	sor.u32 $0x2C00, s6;
	s10 =	sadd.s32 $0x580, s2  }
0x200: {  	[hbm4b:s10+s3] =	stream.linear.scatter [tilespmem:s8], [sflag:$0xC], $0x80, $0x38;
	[tilespmem:$0x14280] =	vst v63  }
0x201: {  	s11 =	sor.u32 $0x3000, s6;
	s12 =	sadd.s32 $0x600, s2  }
0x202: {  	[hbm4b:s12+s3] =	stream.linear.scatter [tilespmem:s11], [sflag:$0xC], $0x80, $0x38;
	[tilespmem:$0x14280] =	vst v63  }
0x203: {  	s8 =	sor.u32 $0x3400, s6;
	s10 =	sadd.s32 $0x680, s2  }
0x204: {  	[hbm4b:s10+s3] =	stream.linear.scatter [tilespmem:s8], [sflag:$0xC], $0x80, $0x38;
	[tilespmem:$0x14280] =	vst v63  }
0x205: {  	s11 =	sor.u32 $0x3800, s6;
	s12 =	sadd.s32 $0x700, s2  }
0x206: {  	[hbm4b:s12+s3] =	stream.linear.scatter [tilespmem:s11], [sflag:$0xC], $0x80, $0x38;
	[tilespmem:$0x14280] =	vst v63  }
0x207: {  	s6 =	sor.u32 $0x3C00, s6;
	s2 =	sadd.s32 $0x780, s2  }
0x208: {  	[hbm4b:s2+s3] =	stream.linear.scatter [tilespmem:s6], [sflag:$0xC], $0x80, $0x38;
	[tilespmem:$0x14280] =	vst v63  }
0x209: {  	p0 =	seq.s32 s1, $0x13;
	s2 =	simm.s32 $0x1  }
0x20a: {  	s1 =	sadd.s32 $0x1, s1;
	s2 =	simm.s32 @!p0 $0x0  }
0x20b: {  	s1 =	simm.s32 @p0 $0x0;
	s0 =	sadd.s32 s2, s0  }
0x20c: {  	s8 =	sshll.u32 s1, $0xB;
	s2 =	smul.u32 $0xC000, s0  }
0x20d: {  	s10 =	sshll.u32 s1, $0x7;
	s6 =	sand.u32 $0xFFFFC000, s8  }
0x20e: {  	s11 =	sand.u32 $0x380, s10;
	s12 =	spop (v2sf);
	s2 =	sadd.s32 s6, s2  }
0x20f: {  	s7 =	sshll.u32 s12, $0x7;
	s8 =	sshll.u32 s12, $0xB;
	s2 =	sor.u32 s11, s2  }
0x210: {  	s7 =	sand.u32 $0x380, s7;
	s6 =	sand.u32 $0xFFFFC000, s8;
	s2 =	sshrl.u32 s2, $0x3  }
0x211: {  	s6 =	sor.u32 s7, s6;
	s2 =	sadd.s32 s4, s2  }
0x212: {  	[hbm4b:s2+s3] =	stream.linear.scatter [tilespmem:s6], [sflag:$0xD], $0x80, $0x38;
	[tilespmem:$0x14280] =	vst v63  }
0x213: {  	s7 =	sor.u32 $0x400, s6;
	s10 =	sadd.s32 $0x80, s2  }
0x214: {  	[hbm4b:s10+s3] =	stream.linear.scatter [tilespmem:s7], [sflag:$0xD], $0x80, $0x38;
	[tilespmem:$0x14280] =	vst v63  }
0x215: {  	s11 =	sor.u32 $0x800, s6;
	s12 =	sadd.s32 $0x100, s2  }
0x216: {  	[hbm4b:s12+s3] =	stream.linear.scatter [tilespmem:s11], [sflag:$0xD], $0x80, $0x38;
	[tilespmem:$0x14280] =	vst v63  }
0x217: {  	s8 =	sor.u32 $0xC00, s6;
	s10 =	sadd.s32 $0x180, s2  }
0x218: {  	[hbm4b:s10+s3] =	stream.linear.scatter [tilespmem:s8], [sflag:$0xD], $0x80, $0x38;
	[tilespmem:$0x14280] =	vst v63  }
0x219: {  	s11 =	sor.u32 $0x1000, s6;
	s12 =	sadd.s32 $0x200, s2  }
0x21a: {  	[hbm4b:s12+s3] =	stream.linear.scatter [tilespmem:s11], [sflag:$0xD], $0x80, $0x38;
	[tilespmem:$0x14280] =	vst v63  }
0x21b: {  	s8 =	sor.u32 $0x1400, s6;
	s10 =	sadd.s32 $0x280, s2  }
0x21c: {  	[hbm4b:s10+s3] =	stream.linear.scatter [tilespmem:s8], [sflag:$0xD], $0x80, $0x38;
	[tilespmem:$0x14280] =	vst v63  }
0x21d: {  	s11 =	sor.u32 $0x1800, s6;
	s12 =	sadd.s32 $0x300, s2  }
0x21e: {  	[hbm4b:s12+s3] =	stream.linear.scatter [tilespmem:s11], [sflag:$0xD], $0x80, $0x38;
	[tilespmem:$0x14280] =	vst v63  }
0x21f: {  	s8 =	sor.u32 $0x1C00, s6;
	s10 =	sadd.s32 $0x380, s2  }
0x220: {  	[hbm4b:s10+s3] =	stream.linear.scatter [tilespmem:s8], [sflag:$0xD], $0x80, $0x38;
	[tilespmem:$0x14280] =	vst v63  }
0x221: {  	s11 =	sor.u32 $0x2000, s6;
	s12 =	sadd.s32 $0x400, s2  }
0x222: {  	[hbm4b:s12+s3] =	stream.linear.scatter [tilespmem:s11], [sflag:$0xD], $0x80, $0x38;
	[tilespmem:$0x14280] =	vst v63  }
0x223: {  	s8 =	sor.u32 $0x2400, s6;
	s10 =	sadd.s32 $0x480, s2  }
0x224: {  	[hbm4b:s10+s3] =	stream.linear.scatter [tilespmem:s8], [sflag:$0xD], $0x80, $0x38;
	[tilespmem:$0x14280] =	vst v63  }
0x225: {  	s11 =	sor.u32 $0x2800, s6;
	s12 =	sadd.s32 $0x500, s2  }
0x226: {  	[hbm4b:s12+s3] =	stream.linear.scatter [tilespmem:s11], [sflag:$0xD], $0x80, $0x38;
	[tilespmem:$0x14280] =	vst v63  }
0x227: {  	(v2sf) =	vpush v0, $0xD;
	s8 =	sor.u32 $0x2C00, s6;
	s10 =	sadd.s32 $0x580, s2  }
0x228: {  	[hbm4b:s10+s3] =	stream.linear.scatter [tilespmem:s8], [sflag:$0xD], $0x80, $0x38;
	[tilespmem:$0x14280] =	vst v63  }
0x229: {  	s11 =	sor.u32 $0x3000, s6;
	s12 =	sadd.s32 $0x600, s2  }
0x22a: {  	[hbm4b:s12+s3] =	stream.linear.scatter [tilespmem:s11], [sflag:$0xD], $0x80, $0x38;
	[tilespmem:$0x14280] =	vst v63  }
0x22b: {  	s8 =	sor.u32 $0x3400, s6;
	s10 =	sadd.s32 $0x680, s2  }
0x22c: {  	[hbm4b:s10+s3] =	stream.linear.scatter [tilespmem:s8], [sflag:$0xD], $0x80, $0x38;
	[tilespmem:$0x14280] =	vst v63  }
0x22d: {  	s11 =	sor.u32 $0x3800, s6;
	s12 =	sadd.s32 $0x700, s2  }
0x22e: {  	[hbm4b:s12+s3] =	stream.linear.scatter [tilespmem:s11], [sflag:$0xD], $0x80, $0x38;
	[tilespmem:$0x14280] =	vst v63  }
0x22f: {  	s6 =	sor.u32 $0x3C00, s6;
	s2 =	sadd.s32 $0x780, s2  }
0x230: {  	[hbm4b:s2+s3] =	stream.linear.scatter [tilespmem:s6], [sflag:$0xD], $0x80, $0x38;
	[tilespmem:$0x14280] =	vst v63  }
0x231: {  	p0 =	seq.s32 s1, $0x13;
	s2 =	simm.s32 $0x1  }
0x232: {  	s1 =	sadd.s32 $0x1, s1;
	s2 =	simm.s32 @!p0 $0x0  }
0x233: {  	s1 =	simm.s32 @p0 $0x0;
	s0 =	sadd.s32 s2, s0  }
0x234: {  	s8 =	sshll.u32 s1, $0xB;
	s2 =	smul.u32 $0xC000, s0  }
0x235: {  	s10 =	sshll.u32 s1, $0x7;
	s6 =	sand.u32 $0xFFFFC000, s8  }
0x236: {  	s11 =	sand.u32 $0x380, s10;
	s12 =	spop (v2sf);
	s2 =	sadd.s32 s6, s2  }
0x237: {  	s7 =	sshll.u32 s12, $0x7;
	s8 =	sshll.u32 s12, $0xB;
	s2 =	sor.u32 s11, s2  }
0x238: {  	s7 =	sand.u32 $0x380, s7;
	s6 =	sand.u32 $0xFFFFC000, s8;
	s2 =	sshrl.u32 s2, $0x3  }
0x239: {  	s6 =	sor.u32 s7, s6;
	s2 =	sadd.s32 s4, s2  }
0x23a: {  	[hbm4b:s2+s3] =	stream.linear.scatter [tilespmem:s6], [sflag:$0xE], $0x80, $0x38;
	[tilespmem:$0x14280] =	vst v63  }
0x23b: {  	s7 =	sor.u32 $0x400, s6;
	s10 =	sadd.s32 $0x80, s2  }
0x23c: {  	[hbm4b:s10+s3] =	stream.linear.scatter [tilespmem:s7], [sflag:$0xE], $0x80, $0x38;
	[tilespmem:$0x14280] =	vst v63  }
0x23d: {  	s11 =	sor.u32 $0x800, s6;
	s12 =	sadd.s32 $0x100, s2  }
0x23e: {  	[hbm4b:s12+s3] =	stream.linear.scatter [tilespmem:s11], [sflag:$0xE], $0x80, $0x38;
	[tilespmem:$0x14280] =	vst v63  }
0x23f: {  	s8 =	sor.u32 $0xC00, s6;
	s10 =	sadd.s32 $0x180, s2  }
0x240: {  	[hbm4b:s10+s3] =	stream.linear.scatter [tilespmem:s8], [sflag:$0xE], $0x80, $0x38;
	[tilespmem:$0x14280] =	vst v63  }
0x241: {  	s11 =	sor.u32 $0x1000, s6;
	s12 =	sadd.s32 $0x200, s2  }
0x242: {  	[hbm4b:s12+s3] =	stream.linear.scatter [tilespmem:s11], [sflag:$0xE], $0x80, $0x38;
	[tilespmem:$0x14280] =	vst v63  }
0x243: {  	s8 =	sor.u32 $0x1400, s6;
	s10 =	sadd.s32 $0x280, s2  }
0x244: {  	[hbm4b:s10+s3] =	stream.linear.scatter [tilespmem:s8], [sflag:$0xE], $0x80, $0x38;
	[tilespmem:$0x14280] =	vst v63  }
0x245: {  	s11 =	sor.u32 $0x1800, s6;
	s12 =	sadd.s32 $0x300, s2  }
0x246: {  	[hbm4b:s12+s3] =	stream.linear.scatter [tilespmem:s11], [sflag:$0xE], $0x80, $0x38;
	[tilespmem:$0x14280] =	vst v63  }
0x247: {  	s8 =	sor.u32 $0x1C00, s6;
	s10 =	sadd.s32 $0x380, s2  }
0x248: {  	[hbm4b:s10+s3] =	stream.linear.scatter [tilespmem:s8], [sflag:$0xE], $0x80, $0x38;
	[tilespmem:$0x14280] =	vst v63  }
0x249: {  	s11 =	sor.u32 $0x2000, s6;
	s12 =	sadd.s32 $0x400, s2  }
0x24a: {  	[hbm4b:s12+s3] =	stream.linear.scatter [tilespmem:s11], [sflag:$0xE], $0x80, $0x38;
	[tilespmem:$0x14280] =	vst v63  }
0x24b: {  	s8 =	sor.u32 $0x2400, s6;
	s10 =	sadd.s32 $0x480, s2  }
0x24c: {  	[hbm4b:s10+s3] =	stream.linear.scatter [tilespmem:s8], [sflag:$0xE], $0x80, $0x38;
	[tilespmem:$0x14280] =	vst v63  }
0x24d: {  	s11 =	sor.u32 $0x2800, s6;
	s12 =	sadd.s32 $0x500, s2  }
0x24e: {  	[hbm4b:s12+s3] =	stream.linear.scatter [tilespmem:s11], [sflag:$0xE], $0x80, $0x38;
	[tilespmem:$0x14280] =	vst v63  }
0x24f: {  	(v2sf) =	vpush v0, $0xE;
	s8 =	sor.u32 $0x2C00, s6;
	s10 =	sadd.s32 $0x580, s2  }
0x250: {  	[hbm4b:s10+s3] =	stream.linear.scatter [tilespmem:s8], [sflag:$0xE], $0x80, $0x38;
	[tilespmem:$0x14280] =	vst v63  }
0x251: {  	s11 =	sor.u32 $0x3000, s6;
	s12 =	sadd.s32 $0x600, s2  }
0x252: {  	[hbm4b:s12+s3] =	stream.linear.scatter [tilespmem:s11], [sflag:$0xE], $0x80, $0x38;
	[tilespmem:$0x14280] =	vst v63  }
0x253: {  	s8 =	sor.u32 $0x3400, s6;
	s10 =	sadd.s32 $0x680, s2  }
0x254: {  	[hbm4b:s10+s3] =	stream.linear.scatter [tilespmem:s8], [sflag:$0xE], $0x80, $0x38;
	[tilespmem:$0x14280] =	vst v63  }
0x255: {  	s11 =	sor.u32 $0x3800, s6;
	s12 =	sadd.s32 $0x700, s2  }
0x256: {  	[hbm4b:s12+s3] =	stream.linear.scatter [tilespmem:s11], [sflag:$0xE], $0x80, $0x38;
	[tilespmem:$0x14280] =	vst v63  }
0x257: {  	s6 =	sor.u32 $0x3C00, s6;
	s2 =	sadd.s32 $0x780, s2  }
0x258: {  	[hbm4b:s2+s3] =	stream.linear.scatter [tilespmem:s6], [sflag:$0xE], $0x80, $0x38;
	[tilespmem:$0x14280] =	vst v63  }
0x259: {  	p0 =	seq.s32 s1, $0x13;
	s2 =	simm.s32 $0x1  }
0x25a: {  	s1 =	sadd.s32 $0x1, s1;
	s2 =	simm.s32 @!p0 $0x0  }
0x25b: {  	s1 =	simm.s32 @p0 $0x0;
	s0 =	sadd.s32 s2, s0  }
0x25c: {  	s8 =	sshll.u32 s1, $0xB;
	s2 =	smul.u32 $0xC000, s0  }
0x25d: {  	s10 =	sshll.u32 s1, $0x7;
	s6 =	sand.u32 $0xFFFFC000, s8  }
0x25e: {  	s11 =	sand.u32 $0x380, s10;
	s12 =	spop (v2sf);
	s2 =	sadd.s32 s6, s2  }
0x25f: {  	s7 =	sshll.u32 s12, $0x7;
	s8 =	sshll.u32 s12, $0xB;
	s2 =	sor.u32 s11, s2  }
0x260: {  	s7 =	sand.u32 $0x380, s7;
	s6 =	sand.u32 $0xFFFFC000, s8;
	s2 =	sshrl.u32 s2, $0x3  }
0x261: {  	s6 =	sor.u32 s7, s6;
	s2 =	sadd.s32 s4, s2  }
0x262: {  	[hbm4b:s2+s3] =	stream.linear.scatter [tilespmem:s6], [sflag:$0xF], $0x80, $0x38;
	[tilespmem:$0x14280] =	vst v63  }
0x263: {  	s7 =	sor.u32 $0x400, s6;
	s10 =	sadd.s32 $0x80, s2  }
0x264: {  	[hbm4b:s10+s3] =	stream.linear.scatter [tilespmem:s7], [sflag:$0xF], $0x80, $0x38;
	[tilespmem:$0x14280] =	vst v63  }
0x265: {  	s11 =	sor.u32 $0x800, s6;
	s12 =	sadd.s32 $0x100, s2  }
0x266: {  	[hbm4b:s12+s3] =	stream.linear.scatter [tilespmem:s11], [sflag:$0xF], $0x80, $0x38;
	[tilespmem:$0x14280] =	vst v63  }
0x267: {  	s8 =	sor.u32 $0xC00, s6;
	s10 =	sadd.s32 $0x180, s2  }
0x268: {  	[hbm4b:s10+s3] =	stream.linear.scatter [tilespmem:s8], [sflag:$0xF], $0x80, $0x38;
	[tilespmem:$0x14280] =	vst v63  }
0x269: {  	s11 =	sor.u32 $0x1000, s6;
	s12 =	sadd.s32 $0x200, s2  }
0x26a: {  	[hbm4b:s12+s3] =	stream.linear.scatter [tilespmem:s11], [sflag:$0xF], $0x80, $0x38;
	[tilespmem:$0x14280] =	vst v63  }
0x26b: {  	s8 =	sor.u32 $0x1400, s6;
	s10 =	sadd.s32 $0x280, s2  }
0x26c: {  	[hbm4b:s10+s3] =	stream.linear.scatter [tilespmem:s8], [sflag:$0xF], $0x80, $0x38;
	[tilespmem:$0x14280] =	vst v63  }
0x26d: {  	s11 =	sor.u32 $0x1800, s6;
	s12 =	sadd.s32 $0x300, s2  }
0x26e: {  	[hbm4b:s12+s3] =	stream.linear.scatter [tilespmem:s11], [sflag:$0xF], $0x80, $0x38;
	[tilespmem:$0x14280] =	vst v63  }
0x26f: {  	s8 =	sor.u32 $0x1C00, s6;
	s10 =	sadd.s32 $0x380, s2  }
0x270: {  	[hbm4b:s10+s3] =	stream.linear.scatter [tilespmem:s8], [sflag:$0xF], $0x80, $0x38;
	[tilespmem:$0x14280] =	vst v63  }
0x271: {  	s11 =	sor.u32 $0x2000, s6;
	s12 =	sadd.s32 $0x400, s2  }
0x272: {  	[hbm4b:s12+s3] =	stream.linear.scatter [tilespmem:s11], [sflag:$0xF], $0x80, $0x38;
	[tilespmem:$0x14280] =	vst v63  }
0x273: {  	s8 =	sor.u32 $0x2400, s6;
	s10 =	sadd.s32 $0x480, s2  }
0x274: {  	[hbm4b:s10+s3] =	stream.linear.scatter [tilespmem:s8], [sflag:$0xF], $0x80, $0x38;
	[tilespmem:$0x14280] =	vst v63  }
0x275: {  	s11 =	sor.u32 $0x2800, s6;
	s12 =	sadd.s32 $0x500, s2  }
0x276: {  	[hbm4b:s12+s3] =	stream.linear.scatter [tilespmem:s11], [sflag:$0xF], $0x80, $0x38;
	[tilespmem:$0x14280] =	vst v63  }
0x277: {  	(v2sf) =	vpush v0, $0xF;
	s8 =	sor.u32 $0x2C00, s6;
	s10 =	sadd.s32 $0x580, s2  }
0x278: {  	[hbm4b:s10+s3] =	stream.linear.scatter [tilespmem:s8], [sflag:$0xF], $0x80, $0x38;
	[tilespmem:$0x14280] =	vst v63  }
0x279: {  	s11 =	sor.u32 $0x3000, s6;
	s12 =	sadd.s32 $0x600, s2  }
0x27a: {  	[hbm4b:s12+s3] =	stream.linear.scatter [tilespmem:s11], [sflag:$0xF], $0x80, $0x38;
	[tilespmem:$0x14280] =	vst v63  }
0x27b: {  	s8 =	sor.u32 $0x3400, s6;
	s10 =	sadd.s32 $0x680, s2  }
0x27c: {  	[hbm4b:s10+s3] =	stream.linear.scatter [tilespmem:s8], [sflag:$0xF], $0x80, $0x38;
	[tilespmem:$0x14280] =	vst v63  }
0x27d: {  	s11 =	sor.u32 $0x3800, s6;
	s12 =	sadd.s32 $0x700, s2  }
0x27e: {  	[hbm4b:s12+s3] =	stream.linear.scatter [tilespmem:s11], [sflag:$0xF], $0x80, $0x38;
	[tilespmem:$0x14280] =	vst v63  }
0x27f: {  	s6 =	sor.u32 $0x3C00, s6;
	s2 =	sadd.s32 $0x780, s2  }
0x280: {  	[hbm4b:s2+s3] =	stream.linear.scatter [tilespmem:s6], [sflag:$0xF], $0x80, $0x38;
	[tilespmem:$0x14280] =	vst v63  }
0x281: {  	p0 =	seq.s32 s1, $0x13;
	s2 =	simm.s32 $0x1  }
0x282: {  	s1 =	sadd.s32 $0x1, s1;
	s2 =	simm.s32 @!p0 $0x0  }
0x283: {  	s1 =	simm.s32 @p0 $0x0;
	s0 =	sadd.s32 s2, s0  }
0x284: {  	s6 =	sshll.u32 s1, $0xB;
	s0 =	smul.u32 $0xC000, s0  }
0x285: {  	s1 =	sshll.u32 s1, $0x7;
	s2 =	sand.u32 $0xFFFFC000, s6  }
0x286: {  	s7 =	spop (v2sf);
	s1 =	sand.u32 $0x380, s1;
	s0 =	sadd.s32 s2, s0  }
0x287: {  	s8 =	sshll.u32 s7, $0xB;
	s2 =	sshll.u32 s7, $0x7;
	s0 =	sor.u32 s1, s0  }
0x288: {  	s1 =	sand.u32 $0xFFFFC000, s8;
	s2 =	sand.u32 $0x380, s2;
	s0 =	sshrl.u32 s0, $0x3  }
0x289: {  	s1 =	sor.u32 s2, s1;
	s0 =	sadd.s32 s4, s0  }
0x28a: {  	[hbm4b:s0+s3] =	stream.linear.scatter [tilespmem:s1], [sflag:$0x10], $0x80, $0x38;
	[tilespmem:$0x14280] =	vst v63  }
0x28b: {  	s2 =	sor.u32 $0x400, s1;
	s10 =	sadd.s32 $0x80, s0  }
0x28c: {  	[hbm4b:s10+s3] =	stream.linear.scatter [tilespmem:s2], [sflag:$0x10], $0x80, $0x38;
	[tilespmem:$0x14280] =	vst v63  }
0x28d: {  	s11 =	sor.u32 $0x800, s1;
	s12 =	sadd.s32 $0x100, s0  }
0x28e: {  	[hbm4b:s12+s3] =	stream.linear.scatter [tilespmem:s11], [sflag:$0x10], $0x80, $0x38;
	[tilespmem:$0x14280] =	vst v63  }
0x28f: {  	s6 =	sor.u32 $0xC00, s1;
	s7 =	sadd.s32 $0x180, s0  }
0x290: {  	[hbm4b:s7+s3] =	stream.linear.scatter [tilespmem:s6], [sflag:$0x10], $0x80, $0x38;
	[tilespmem:$0x14280] =	vst v63  }
0x291: {  	s8 =	sor.u32 $0x1000, s1;
	s10 =	sadd.s32 $0x200, s0  }
0x292: {  	[hbm4b:s10+s3] =	stream.linear.scatter [tilespmem:s8], [sflag:$0x10], $0x80, $0x38;
	[tilespmem:$0x14280] =	vst v63  }
0x293: {  	s11 =	sor.u32 $0x1400, s1;
	s12 =	sadd.s32 $0x280, s0  }
0x294: {  	[hbm4b:s12+s3] =	stream.linear.scatter [tilespmem:s11], [sflag:$0x10], $0x80, $0x38;
	[tilespmem:$0x14280] =	vst v63  }
0x295: {  	s6 =	sor.u32 $0x1800, s1;
	s7 =	sadd.s32 $0x300, s0  }
0x296: {  	[hbm4b:s7+s3] =	stream.linear.scatter [tilespmem:s6], [sflag:$0x10], $0x80, $0x38;
	[tilespmem:$0x14280] =	vst v63  }
0x297: {  	s8 =	sor.u32 $0x1C00, s1;
	s10 =	sadd.s32 $0x380, s0  }
0x298: {  	[hbm4b:s10+s3] =	stream.linear.scatter [tilespmem:s8], [sflag:$0x10], $0x80, $0x38;
	[tilespmem:$0x14280] =	vst v63  }
0x299: {  	s11 =	sor.u32 $0x2000, s1;
	s12 =	sadd.s32 $0x400, s0  }
0x29a: {  	[hbm4b:s12+s3] =	stream.linear.scatter [tilespmem:s11], [sflag:$0x10], $0x80, $0x38;
	[tilespmem:$0x14280] =	vst v63  }
0x29b: {  	s6 =	sor.u32 $0x2400, s1;
	s7 =	sadd.s32 $0x480, s0  }
0x29c: {  	[hbm4b:s7+s3] =	stream.linear.scatter [tilespmem:s6], [sflag:$0x10], $0x80, $0x38;
	[tilespmem:$0x14280] =	vst v63  }
0x29d: {  	s8 =	sor.u32 $0x2800, s1;
	s10 =	sadd.s32 $0x500, s0  }
0x29e: {  	[hbm4b:s10+s3] =	stream.linear.scatter [tilespmem:s8], [sflag:$0x10], $0x80, $0x38;
	[tilespmem:$0x14280] =	vst v63  }
0x29f: {  	s11 =	sor.u32 $0x2C00, s1;
	s12 =	sadd.s32 $0x580, s0  }
0x2a0: {  	[hbm4b:s12+s3] =	stream.linear.scatter [tilespmem:s11], [sflag:$0x10], $0x80, $0x38;
	[tilespmem:$0x14280] =	vst v63  }
0x2a1: {  	s31 =	sadd.s32 $0x10, s31;
	s6 =	sor.u32 $0x3000, s1;
	s7 =	sadd.s32 $0x600, s0  }
0x2a2: {  	[hbm4b:s7+s3] =	stream.linear.scatter [tilespmem:s6], [sflag:$0x10], $0x80, $0x38;
	[tilespmem:$0x14280] =	vst v63  }
0x2a3: {  	p0 =	sne.s32 s31, $0x280;
	s8 =	sor.u32 $0x3400, s1;
	s10 =	sadd.s32 $0x680, s0  }
0x2a4: {  	[hbm4b:s10+s3] =	stream.linear.scatter [tilespmem:s8], [sflag:$0x10], $0x80, $0x38;
	[tilespmem:$0x14280] =	vst v63  }
.Ltmp0:
0x2a5: {  	s30 =	sadd.s32 $0x10, s30;
	(pc) =	sbr.rel @p0 .LBB2_2-.Ltmp0, $4  }
0x2a6: {  	s29 =	sadd.s32 $0x8000, s29;
	s11 =	sor.u32 $0x3800, s1;
	s12 =	sadd.s32 $0x700, s0  }
0x2a7: {  	[hbm4b:s12+s3] =	stream.linear.scatter [tilespmem:s11], [sflag:$0x10], $0x80, $0x38;
	[tilespmem:$0x14280] =	vst v63  }
0x2a8: {  	s28 =	sadd.s32 $0x10, s28;
	s1 =	sor.u32 $0x3C00, s1;
	s0 =	sadd.s32 $0x780, s0  }
0x2a9: {  	[hbm4b:s0+s3] =	stream.linear.scatter [tilespmem:s1], [sflag:$0x10], $0x80, $0x38;
	[tilespmem:$0x14280] =	vst v63  }
0x2aa: {  	s0 =	simm.s32 $0x1  }
0x2ab: {  	_ =	swait.ge [sflag:s0], $0x800  }
0x2ac: {  	[sflag:s0] =	ssyncset.done $0x0  }
0x2ad: {  	s29 =	simm.s32 $0x2;
	[sflag:s0] =	ssyncadd.s32 $0xFFFFF800  }
0x2ae: {  	_ =	swait.ge [sflag:s29], $0x800  }
0x2af: {  	[sflag:s29] =	ssyncset.done $0x0  }
0x2b0: {  	s30 =	simm.s32 $0x3;
	[sflag:s29] =	ssyncadd.s32 $0xFFFFF800  }
0x2b1: {  	_ =	swait.ge [sflag:s30], $0x800  }
0x2b2: {  	[sflag:s30] =	ssyncset.done $0x0  }
0x2b3: {  	[sflag:s30] =	ssyncadd.s32 $0xFFFFF800  }
0x2b4: {  	_ =	swait.ge [sflag:s13], $0x800  }
0x2b5: {  	[sflag:s13] =	ssyncset.done $0x0  }
0x2b6: {  	[sflag:s13] =	ssyncadd.s32 $0xFFFFF800  }
0x2b7: {  	_ =	swait.ge [sflag:s14], $0x800  }
0x2b8: {  	[sflag:s14] =	ssyncset.done $0x0  }
0x2b9: {  	[sflag:s14] =	ssyncadd.s32 $0xFFFFF800  }
0x2ba: {  	_ =	swait.ge [sflag:s15], $0x800  }
0x2bb: {  	[sflag:s15] =	ssyncset.done $0x0  }
0x2bc: {  	[sflag:s15] =	ssyncadd.s32 $0xFFFFF800  }
0x2bd: {  	_ =	swait.ge [sflag:s16], $0x800  }
0x2be: {  	[sflag:s16] =	ssyncset.done $0x0  }
0x2bf: {  	[sflag:s16] =	ssyncadd.s32 $0xFFFFF800  }
0x2c0: {  	_ =	swait.ge [sflag:s17], $0x800  }
0x2c1: {  	[sflag:s17] =	ssyncset.done $0x0  }
0x2c2: {  	[sflag:s17] =	ssyncadd.s32 $0xFFFFF800  }
0x2c3: {  	_ =	swait.ge [sflag:s18], $0x800  }
0x2c4: {  	[sflag:s18] =	ssyncset.done $0x0  }
0x2c5: {  	[sflag:s18] =	ssyncadd.s32 $0xFFFFF800  }
0x2c6: {  	_ =	swait.ge [sflag:s19], $0x800  }
0x2c7: {  	[sflag:s19] =	ssyncset.done $0x0  }
0x2c8: {  	[sflag:s19] =	ssyncadd.s32 $0xFFFFF800  }
0x2c9: {  	_ =	swait.ge [sflag:s20], $0x800  }
0x2ca: {  	[sflag:s20] =	ssyncset.done $0x0  }
0x2cb: {  	[sflag:s20] =	ssyncadd.s32 $0xFFFFF800  }
0x2cc: {  	_ =	swait.ge [sflag:s21], $0x800  }
0x2cd: {  	[sflag:s21] =	ssyncset.done $0x0  }
0x2ce: {  	[sflag:s21] =	ssyncadd.s32 $0xFFFFF800  }
0x2cf: {  	_ =	swait.ge [sflag:s22], $0x800  }
0x2d0: {  	[sflag:s22] =	ssyncset.done $0x0  }
0x2d1: {  	[sflag:s22] =	ssyncadd.s32 $0xFFFFF800  }
0x2d2: {  	_ =	swait.ge [sflag:s23], $0x800  }
0x2d3: {  	[sflag:s23] =	ssyncset.done $0x0  }
0x2d4: {  	[sflag:s23] =	ssyncadd.s32 $0xFFFFF800  }
0x2d5: {  	_ =	swait.ge [sflag:s24], $0x800  }
0x2d6: {  	[sflag:s24] =	ssyncset.done $0x0  }
0x2d7: {  	[sflag:s24] =	ssyncadd.s32 $0xFFFFF800  }
0x2d8: {  	_ =	swait.ge [sflag:s25], $0x800  }
0x2d9: {  	s26 =	sadd.s32 $0x1, s26;
	s31 =	rddreg [dreg:$0x6]  }
0x2da: {  	p0 =	sne.s32 s26, s31  }
.Ltmp1:
0x2db: {  	_ = 	snop;
	(pc) =	sbr.rel @p0 .LBB2_1-.Ltmp1, $3  }
0x2dc: {  	_ =	sdelay $0x1  }
0x2dd: {  	[sflag:s25] =	ssyncset.done $0x0  }
0x2de: {  	[sflag:s25] =	ssyncadd.s32 $0xFFFFF800  }
0x2df: {  	_ =	sfence.sel $0x180000  }
0x2e0: {  	[bflag:$0x0] =	sbarrier.arrive $0xFFFF  }
0x2e1: {  	_ =	strace $0x90000047  }
0x2e2: {  	s0 =	stileid.u32;
	[bflag:$0x2] =	sbarrier.arrive $0xFFFF  }
0x2e3: {  	p0 =	sne.s32 s0, $0x0;
	s0 =	rddreg [dreg:$0x3]  }
0x2e4: {  	s0 =	sadd.s32 @!p0 $0x100000, s0  }
0x2e5: {  	[sflag:s0] =	ssyncadd.tile.s32 @!p0 $0x1;
	_ =	shalt  }
.Lfunc_end2:
_tile_overlayer_lowered:
.L_overlay_start_2:
0x2e6: {  	(tag) =	ssettag $0x2  }
0x2e7: {  	s0 =	rddreg [dreg:$0x0];
	s2 =	stileid.u32  }
0x2e8: {  	s1 =	rddreg [dreg:$0x1];
	p0 =	sne.s32 s2, $0x0  }
0x2e9: {  	s3 =	rddreg [dreg:$0x2];
	[bflag:$0x3] =	sbarrier.arrive $0xFFFF;
	s2 =	simm.s32 @!p0 $0x1C11  }
0x2ea: {  	[timem:s3], [sflag:s2] =	dma.local @!p0 [hbm:s0], s1  }
0x2eb: {  	s0 =	simm.s32 @!p0 $0x11  }
0x2ec: {  	_ =	swait.ge @!p0 [sflag:s0], s1  }
0x2ed: {  	s1 =	ssub.s32 @!p0 $0x0, s1;
	[sflag:s0] =	ssyncset.done @!p0 $0x0  }
0x2ee: {  	[sflag:s0] =	ssyncadd.s32 @!p0 s1  }
0x2ef: {  	[bflag:$0x3] =	sbarrier.arrive $0xFFFF  }
0x2f0: {  	_ =	shalt  }

</sc_bundles>
